<compile_context>
chip_gen: v7x
topology: tpu7x:2x2x1
jax: 0.10.2.dev20260603
libtpu: 0.0.44.dev20260713+nightly
codegen_flags: <defaults>
</compile_context>

<pallas_src>
import functools

import jax
import jax.numpy as jnp
from jax import lax
from jax.experimental import pallas as pl
from jax.experimental.pallas import tpu as pltpu
from jax.experimental.pallas import tpu_sc as plsc

F32 = jnp.float32
I32 = jnp.int32

NC = 2
NS = 16
CH = 128
BN_EPS = 1e-5


GROUPS = 1


@functools.lru_cache(maxsize=None)
def _make_agg(n_nodes, n_pad, h_dim, chunks_pad):
    grp = chunks_pad // GROUPS
    rows_per_tile = n_pad // NS
    mesh = plsc.VectorSubcoreMesh(core_axis_name="c", subcore_axis_name="s")

    def body(h_hbm, src_hbm, dst_hbm, zeros_hbm, out_hbm,
             acc, sidx, didx, rows, *sems):
        c = lax.axis_index("c")
        s = lax.axis_index("s")
        lo = s * rows_per_tile
        pltpu.sync_copy(zeros_hbm.at[pl.ds(lo, rows_per_tile)],
                        acc.at[pl.ds(lo, rows_per_tile)])
        plsc.subcore_barrier()

        for g in range(GROUPS):
            pltpu.sync_copy(src_hbm.at[c, s, g], sidx)
            pltpu.sync_copy(dst_hbm.at[c, s, g], didx)

            @pl.loop(0, grp)
            def _(j):
                ds = pl.ds(j * CH, CH)
                pltpu.async_copy(h_hbm.at[sidx.at[ds]], rows, sems[0]).wait()
                pltpu.sync_copy(rows, acc.at[didx.at[ds]], add=True)

        plsc.subcore_barrier()
        pltpu.sync_copy(acc.at[pl.ds(lo, rows_per_tile)],
                        out_hbm.at[c, pl.ds(lo, rows_per_tile)])

    return pl.kernel(
        body,
        out_type=jax.ShapeDtypeStruct((NC, n_pad, h_dim), F32),
        mesh=mesh,
        scratch_types=[
            pltpu.VMEM_SHARED((n_pad, h_dim), F32),
            pltpu.VMEM((grp * CH,), I32),
            pltpu.VMEM((grp * CH,), I32),
            pltpu.VMEM((CH, h_dim), F32),
            pltpu.SemaphoreType.DMA,
        ],
    )


def _embed_body(ntr, ctr, ptr, tcat, w3, pb, out):
    br = out.shape[0]
    nt = ntr[0]
    ct = ctr[0]
    pt = ptr[0]
    i24 = lax.broadcasted_iota(I32, (br, 24), 1)
    oh = ((i24 == jnp.clip(nt, 0, 7))
          | (i24 == (jnp.clip(ct, 0, 7) + 8))
          | (i24 == (jnp.clip(pt, 0, 7) + 16))).astype(F32)
    t = tcat[...]
    w = w3[...]
    tp = jnp.concatenate(
        [jnp.dot(t[0:8], w[0], preferred_element_type=F32),
         jnp.dot(t[8:16], w[1], preferred_element_type=F32),
         jnp.dot(t[16:24], w[2], preferred_element_type=F32)], axis=0)
    out[...] = jnp.dot(oh, tp, preferred_element_type=F32) + pb[...]


def _layer_body(h_ref, agg_ref, w1, b1, w2, b2, gam, bet, out_ref,
                z2_s, st_s, *, br, n_nodes, residual):
    ph = pl.program_id(0)
    j = pl.program_id(1)

    @pl.when(ph == 0)
    def _():
        @pl.when(j == 0)
        def _():
            st_s[...] = jnp.zeros_like(st_s)
        z = h_ref[...] + agg_ref[0] + agg_ref[1]
        t = jnp.maximum(jnp.dot(z, w1[...], preferred_element_type=F32)
                        + b1[...], 0.0)
        z2 = jnp.dot(t, w2[...], preferred_element_type=F32) + b2[...]
        z2_s[pl.ds(j * br, br), :] = z2
        st_s[0:1, :] += jnp.sum(z2, axis=0, keepdims=True)
        st_s[1:2, :] += jnp.sum(z2 * z2, axis=0, keepdims=True)

    @pl.when(ph == 1)
    def _():
        nf = jnp.float32(n_nodes)
        mu = st_s[0:1, :] / nf
        var = st_s[1:2, :] / nf - mu * mu
        inv = 1.0 / jnp.sqrt(var + BN_EPS)
        z2 = z2_s[pl.ds(j * br, br), :]
        y = (z2 - mu) * inv * gam[...] + bet[...]
        y = jnp.maximum(y, 0.0)
        if residual:
            y = y + h_ref[...]
        out_ref[...] = y


def _pool_body(h_ref, brow_ref, bcol_ref, out_ref, sum_s, max_s, cnt_s,
               *, br, n_graphs):
    j = pl.program_id(0)

    @pl.when(j == 0)
    def _():
        sum_s[...] = jnp.zeros_like(sum_s)
        cnt_s[...] = jnp.zeros_like(cnt_s)
        max_s[...] = jnp.full_like(max_s, -jnp.inf)

    b_row = brow_ref[0]
    b_col = bcol_ref[0]
    h = h_ref[...]
    oht = (lax.broadcasted_iota(I32, (n_graphs, br), 0)
           == b_row).astype(F32)
    sum_s[...] += jnp.dot(oht, h, preferred_element_type=F32)
    cnt_s[...] += jnp.broadcast_to(jnp.sum(oht, axis=1, keepdims=True),
                                   cnt_s.shape)
    neg = jnp.float32(-jnp.inf)
    for g in range(n_graphs):
        m = jnp.max(jnp.where(b_col == g, h, neg), axis=0, keepdims=True)
        max_s[g:g + 1, :] = jnp.maximum(max_s[g:g + 1, :], m)

    cnt = jnp.maximum(cnt_s[...], 1.0)
    out_ref[...] = jnp.concatenate(
        [sum_s[...] / cnt, max_s[...], sum_s[...]], axis=1)


def kernel(x, edge_index, batch, params):
    n = x.shape[0]
    h_dim = params["proj_W"].shape[1]
    n_graphs = 16
    br = 1000
    n_blocks = n // br
    n_pad = ((n + 1 + NS * 8 - 1) // (NS * 8)) * (NS * 8)

    e = edge_index.shape[1]
    chunks_pad = -(-(-(-e // (NC * NS * CH))) // GROUPS) * GROUPS
    e_pad = NC * NS * chunks_pad * CH

    pad_dst = n + (jnp.arange(e_pad - e, dtype=I32) % (n_pad - n))
    src = jnp.concatenate(
        [edge_index[0], jnp.zeros((e_pad - e,), I32)]).reshape(
            NC, NS, GROUPS, (chunks_pad // GROUPS) * CH)
    dst = jnp.concatenate(
        [edge_index[1], pad_dst]).reshape(
            NC, NS, GROUPS, (chunks_pad // GROUPS) * CH)
    zeros_hbm = jnp.zeros((n_pad, h_dim), F32)

    tcat = jnp.zeros((24, h_dim), F32)
    tcat = tcat.at[0:5].set(params["node_emb"])
    tcat = tcat.at[8:14].set(params["comp_emb"])
    tcat = tcat.at[16:22].set(params["pin_emb"])
    w3 = params["proj_W"].reshape(3, h_dim, h_dim)
    pb = params["proj_b"].reshape(1, h_dim)

    xt = x.astype(I32).T.reshape(3, n_blocks, br, 1)
    ntr, ctr, ptr = xt[0], xt[1], xt[2]
    batch_r = batch.astype(I32).reshape(n_blocks, 1, br)
    batch_c = batch.astype(I32).reshape(n_blocks, br, 1)

    idx_spec = pl.BlockSpec((1, br, 1), lambda j: (j, 0, 0))
    full = lambda shp: pl.BlockSpec(shp, lambda j: tuple(0 for _ in shp))
    h = pl.pallas_call(
        _embed_body,
        grid=(n_blocks,),
        in_specs=[idx_spec, idx_spec, idx_spec,
                  full((24, h_dim)), full((3, h_dim, h_dim)),
                  full((1, h_dim))],
        out_specs=pl.BlockSpec((br, h_dim), lambda j: (j, 0)),
        out_shape=jax.ShapeDtypeStruct((n, h_dim), F32),
    )(ntr, ctr, ptr, tcat, w3, pb)

    agg_fn = _make_agg(n, n_pad, h_dim, chunks_pad)
    for i, lyr in enumerate(params["layers"]):
        agg = agg_fn(h, src, dst, zeros_hbm)
        body = functools.partial(_layer_body, br=br, n_nodes=n,
                                 residual=(i > 0))
        h = pl.pallas_call(
            body,
            grid=(2, n_blocks),
            in_specs=[
                pl.BlockSpec((br, h_dim), lambda ph, j: (j, 0)),
                pl.BlockSpec((NC, br, h_dim), lambda ph, j: (0, j, 0)),
                pl.BlockSpec((h_dim, 2 * h_dim), lambda ph, j: (0, 0)),
                pl.BlockSpec((1, 2 * h_dim), lambda ph, j: (0, 0)),
                pl.BlockSpec((2 * h_dim, h_dim), lambda ph, j: (0, 0)),
                pl.BlockSpec((1, h_dim), lambda ph, j: (0, 0)),
                pl.BlockSpec((1, h_dim), lambda ph, j: (0, 0)),
                pl.BlockSpec((1, h_dim), lambda ph, j: (0, 0)),
            ],
            out_specs=pl.BlockSpec((br, h_dim), lambda ph, j: (j, 0)),
            out_shape=jax.ShapeDtypeStruct((n, h_dim), F32),
            scratch_shapes=[
                pltpu.VMEM((n, h_dim), F32),
                pltpu.VMEM((8, h_dim), F32),
            ],
        )(h, agg, lyr["W1"], lyr["b1"].reshape(1, -1),
          lyr["W2"], lyr["b2"].reshape(1, -1),
          lyr["gamma"].reshape(1, -1), lyr["beta"].reshape(1, -1))

    out = pl.pallas_call(
        functools.partial(_pool_body, br=br, n_graphs=n_graphs),
        grid=(n_blocks,),
        in_specs=[pl.BlockSpec((br, h_dim), lambda j: (j, 0)),
                  pl.BlockSpec((1, 1, br), lambda j: (j, 0, 0)),
                  pl.BlockSpec((1, br, 1), lambda j: (j, 0, 0))],
        out_specs=pl.BlockSpec((n_graphs, 3 * h_dim), lambda j: (0, 0)),
        out_shape=jax.ShapeDtypeStruct((n_graphs, 3 * h_dim), F32),
        scratch_shapes=[
            pltpu.VMEM((n_graphs, h_dim), F32),
            pltpu.VMEM((n_graphs, h_dim), F32),
            pltpu.VMEM((n_graphs, h_dim), F32),
        ],
    )(h, batch_r, batch_c)
    return out

# --- scband reference (transcript-rebuilt; emitter-appended) ---
"""Pipeline reference for scband-gnnencoder-60378650247271 (READ-ONLY COPY).

The authoritative reference and input builder live on the scoring server;
editing this copy changes nothing except your own understanding.
"""

import jax, jax.numpy as jnp
import numpy as np

N = 10000
E = 320000
H = 128
NUM_GRAPHS = 16
NUM_LAYERS = 3
BN_EPS = 1e-5


def _init_params(key):
    ks = jax.random.split(key, 16)
    def lin(k, fi, fo):
        kw, kb = jax.random.split(k)
        bound = 1.0 / np.sqrt(fi)
        W = jax.random.uniform(kw, (fi, fo), minval=-bound, maxval=bound, dtype=jnp.float32)
        b = jax.random.uniform(kb, (fo,), minval=-bound, maxval=bound, dtype=jnp.float32)
        return W, b
    params = {
        "node_emb": jax.random.normal(ks[0], (5, H), dtype=jnp.float32),
        "comp_emb": jax.random.normal(ks[1], (6, H), dtype=jnp.float32),
        "pin_emb": jax.random.normal(ks[2], (6, H), dtype=jnp.float32),
    }
    params["proj_W"], params["proj_b"] = lin(ks[3], 3 * H, H)
    layers = []
    for i in range(NUM_LAYERS):
        W1, b1 = lin(ks[4 + 2 * i], H, 2 * H)
        W2, b2 = lin(ks[5 + 2 * i], 2 * H, H)
        layers.append({"W1": W1, "b1": b1, "W2": W2, "b2": b2,
                       "gamma": jnp.ones((H,), dtype=jnp.float32),
                       "beta": jnp.zeros((H,), dtype=jnp.float32)})
    params["layers"] = layers
    return params


def setup_inputs(seed: int = 0):
    key = jax.random.key(seed)
    k1, k2, k3, k4 = jax.random.split(key, 4)
    x = jax.random.randint(k1, (N, 3), 0, 5, dtype=jnp.int32)
    edge_index = jax.random.randint(k2, (2, E), 0, N, dtype=jnp.int32)
    batch = jnp.sort(jax.random.randint(k3, (N,), 0, NUM_GRAPHS, dtype=jnp.int32))
    params = _init_params(k4)
    return {"x": x, "edge_index": edge_index, "batch": batch, "params": params}


def _forward(params, x, edge_index, batch):
    nt = jnp.clip(x[:, 0], 0, None)
    ct = jnp.clip(x[:, 1], 0, None)
    pt = jnp.clip(x[:, 2], 0, None)
    h = jnp.concatenate([params["node_emb"][nt],
                         params["comp_emb"][ct],
                         params["pin_emb"][pt]], axis=1)
    h = h @ params["proj_W"] + params["proj_b"]
    src, dst = edge_index[0], edge_index[1]
    for i, lyr in enumerate(params["layers"]):
        # GINConv (eps=0): mlp((1+eps)*x + sum_{j in N(i)} x_j)
        agg = jax.ops.segment_sum(h[src], dst, num_segments=N)
        z = h + agg
        z = jax.nn.relu(z @ lyr["W1"] + lyr["b1"]) @ lyr["W2"] + lyr["b2"]
        # BatchNorm1d in training mode (batch statistics)
        mu = jnp.mean(z, axis=0)
        var = jnp.var(z, axis=0)
        z = (z - mu) / jnp.sqrt(var + BN_EPS) * lyr["gamma"] + lyr["beta"]
        z = jax.nn.relu(z)
        if i > 0:
            z = z + h
        h = z  # dropout: identity (eval)
    sums = jax.ops.segment_sum(h, batch, num_segments=NUM_GRAPHS)
    counts = jax.ops.segment_sum(jnp.ones((N, 1), dtype=h.dtype), batch, num_segments=NUM_GRAPHS)
    gmean = sums / jnp.clip(counts, 1.0, None)
    gmax = jax.ops.segment_max(h, batch, num_segments=NUM_GRAPHS)
    return jnp.concatenate([gmean, gmax, sums], axis=1)


def reference(x, edge_index, batch, params):
    return _forward(params, x, edge_index, batch)

if __name__ == "__main__":
    import jax
    _d = setup_inputs()
    print(jax.jit(kernel)(*tuple(_d.values())))

</pallas_src>

<mosaic_0001>
#map = affine_map<(d0, d1) -> (0, 0)>
#map1 = affine_map<(d0, d1) -> (0, 0, 0, 0)>
#map2 = affine_map<(d0, d1) -> (0, 0, 0)>
module attributes {stable_mosaic.version = 14 : i64} {
  func.func @body(%arg0: i32, %arg1: i32, %arg2: memref<10000x128xf32, #tpu.memory_space<hbm>>, %arg3: memref<2x16x1x10112xi32, #tpu.memory_space<hbm>>, %arg4: memref<2x16x1x10112xi32, #tpu.memory_space<hbm>>, %arg5: memref<10112x128xf32, #tpu.memory_space<hbm>>, %arg6: memref<2x10112x128xf32, #tpu.memory_space<hbm>>, %arg7: memref<10112x128xf32, #tpu.memory_space<vmem_shared>>, %arg8: memref<10112xi32, #tpu.memory_space<vmem>>, %arg9: memref<10112xi32, #tpu.memory_space<vmem>>, %arg10: memref<128x128xf32, #tpu.memory_space<vmem>>, %arg11: memref<!tpu.dma_semaphore, #tpu.memory_space<semaphore_mem>>) attributes {dimension_semantics = [#tpu.dimension_semantics<core_parallel>, #tpu.dimension_semantics<subcore_parallel>], iteration_bounds = array<i64: 2, 16>, scalar_prefetch = 0 : i64, scratch_operands = 5 : i64, tpu.core_type = #tpu.core_type<sc_vector_subcore>, window_params = [{transform_indices = #map}, {transform_indices = #map1}, {transform_indices = #map1}, {transform_indices = #map}, {transform_indices = #map2}]} {
    %mul3A = arith.constant 632 : i32
    %mul3A_0 = arith.muli %arg1, %mul3A : i32
    "tpu.region"() ({
      %run_scoped3A_7 = tpu.sem_alloc : memref<!tpu.dma_semaphore, #tpu.memory_space<semaphore_mem>>
      %dma_start3A = arith.constant 0 : i32
      %dma_start3A_8 = tpu.memref_slice %arg7[%mul3A_0, %dma_start3A] : memref<10112x128xf32, #tpu.memory_space<vmem_shared>> -> memref<632x128xf32, #tpu.memory_space<vmem_shared>>
      %dma_start3A_9 = arith.constant 0 : i32
      %dma_start3A_10 = tpu.memref_slice %arg5[%mul3A_0, %dma_start3A_9] : memref<10112x128xf32, #tpu.memory_space<hbm>> -> memref<632x128xf32, #tpu.memory_space<hbm>>
      tpu.enqueue_dma source(%dma_start3A_10 : memref<632x128xf32, #tpu.memory_space<hbm>>) target(%dma_start3A_8 : memref<632x128xf32, #tpu.memory_space<vmem_shared>>) target_semaphore(%run_scoped3A_7 : memref<!tpu.dma_semaphore, #tpu.memory_space<semaphore_mem>>)
      %dma_wait3A = arith.constant 0 : i32
      %dma_wait3A_11 = tpu.memref_slice %arg7[%mul3A_0, %dma_wait3A] : memref<10112x128xf32, #tpu.memory_space<vmem_shared>> -> memref<632x128xf32, #tpu.memory_space<vmem_shared>>
      %dma_wait3A_12 = arith.constant 0 : i32
      %dma_wait3A_13 = tpu.memref_slice %arg5[%mul3A_0, %dma_wait3A_12] : memref<10112x128xf32, #tpu.memory_space<hbm>> -> memref<632x128xf32, #tpu.memory_space<hbm>>
      tpu.wait_dma2 semaphore(%run_scoped3A_7 : memref<!tpu.dma_semaphore, #tpu.memory_space<semaphore_mem>>) src(%dma_wait3A_13 : memref<632x128xf32, #tpu.memory_space<hbm>>) dst(%dma_wait3A_11 : memref<632x128xf32, #tpu.memory_space<vmem_shared>>)
      tpu.yield
    }) : () -> ()
    %barrier3A = arith.constant 0 : index
    tpu.barrier barrier_id(%barrier3A)
    %run_scoped3A = arith.constant 0 : i32
    "tpu.region"() ({
      %run_scoped3A_7 = tpu.sem_alloc : memref<!tpu.dma_semaphore, #tpu.memory_space<semaphore_mem>>
      %dma_start3A = arith.constant 0 : i32
      %dma_start3A_8 = tpu.memref_slice %arg3[%arg0, %arg1, %run_scoped3A, %dma_start3A] : memref<2x16x1x10112xi32, #tpu.memory_space<hbm>> -> memref<1x1x1x10112xi32, #tpu.memory_space<hbm>>
      %dma_start3A_9 = tpu.memref_squeeze %dma_start3A_8 : memref<1x1x1x10112xi32, #tpu.memory_space<hbm>> -> memref<10112xi32, #tpu.memory_space<hbm>>
      %dma_start3A_10 = arith.constant 0 : i32
      %dma_start3A_11 = tpu.memref_slice %arg3[%arg0, %arg1, %run_scoped3A, %dma_start3A_10] : memref<2x16x1x10112xi32, #tpu.memory_space<hbm>> -> memref<1x1x1x10112xi32, #tpu.memory_space<hbm>>
      %dma_start3A_12 = tpu.memref_squeeze %dma_start3A_11 : memref<1x1x1x10112xi32, #tpu.memory_space<hbm>> -> memref<10112xi32, #tpu.memory_space<hbm>>
      tpu.enqueue_dma source(%dma_start3A_12 : memref<10112xi32, #tpu.memory_space<hbm>>) target(%arg8 : memref<10112xi32, #tpu.memory_space<vmem>>) target_semaphore(%run_scoped3A_7 : memref<!tpu.dma_semaphore, #tpu.memory_space<semaphore_mem>>)
      %dma_wait3A = arith.constant 0 : i32
      %dma_wait3A_13 = tpu.memref_slice %arg3[%arg0, %arg1, %run_scoped3A, %dma_wait3A] : memref<2x16x1x10112xi32, #tpu.memory_space<hbm>> -> memref<1x1x1x10112xi32, #tpu.memory_space<hbm>>
      %dma_wait3A_14 = tpu.memref_squeeze %dma_wait3A_13 : memref<1x1x1x10112xi32, #tpu.memory_space<hbm>> -> memref<10112xi32, #tpu.memory_space<hbm>>
      %dma_wait3A_15 = arith.constant 0 : i32
      %dma_wait3A_16 = tpu.memref_slice %arg3[%arg0, %arg1, %run_scoped3A, %dma_wait3A_15] : memref<2x16x1x10112xi32, #tpu.memory_space<hbm>> -> memref<1x1x1x10112xi32, #tpu.memory_space<hbm>>
      %dma_wait3A_17 = tpu.memref_squeeze %dma_wait3A_16 : memref<1x1x1x10112xi32, #tpu.memory_space<hbm>> -> memref<10112xi32, #tpu.memory_space<hbm>>
      tpu.wait_dma2 semaphore(%run_scoped3A_7 : memref<!tpu.dma_semaphore, #tpu.memory_space<semaphore_mem>>) src(%dma_wait3A_17 : memref<10112xi32, #tpu.memory_space<hbm>>) dst(%arg8 : memref<10112xi32, #tpu.memory_space<vmem>>)
      tpu.yield
    }) : () -> ()
    %run_scoped3A_1 = arith.constant 0 : i32
    "tpu.region"() ({
      %run_scoped3A_7 = tpu.sem_alloc : memref<!tpu.dma_semaphore, #tpu.memory_space<semaphore_mem>>
      %dma_start3A = arith.constant 0 : i32
      %dma_start3A_8 = tpu.memref_slice %arg4[%arg0, %arg1, %run_scoped3A_1, %dma_start3A] : memref<2x16x1x10112xi32, #tpu.memory_space<hbm>> -> memref<1x1x1x10112xi32, #tpu.memory_space<hbm>>
      %dma_start3A_9 = tpu.memref_squeeze %dma_start3A_8 : memref<1x1x1x10112xi32, #tpu.memory_space<hbm>> -> memref<10112xi32, #tpu.memory_space<hbm>>
      %dma_start3A_10 = arith.constant 0 : i32
      %dma_start3A_11 = tpu.memref_slice %arg4[%arg0, %arg1, %run_scoped3A_1, %dma_start3A_10] : memref<2x16x1x10112xi32, #tpu.memory_space<hbm>> -> memref<1x1x1x10112xi32, #tpu.memory_space<hbm>>
      %dma_start3A_12 = tpu.memref_squeeze %dma_start3A_11 : memref<1x1x1x10112xi32, #tpu.memory_space<hbm>> -> memref<10112xi32, #tpu.memory_space<hbm>>
      tpu.enqueue_dma source(%dma_start3A_12 : memref<10112xi32, #tpu.memory_space<hbm>>) target(%arg9 : memref<10112xi32, #tpu.memory_space<vmem>>) target_semaphore(%run_scoped3A_7 : memref<!tpu.dma_semaphore, #tpu.memory_space<semaphore_mem>>)
      %dma_wait3A = arith.constant 0 : i32
      %dma_wait3A_13 = tpu.memref_slice %arg4[%arg0, %arg1, %run_scoped3A_1, %dma_wait3A] : memref<2x16x1x10112xi32, #tpu.memory_space<hbm>> -> memref<1x1x1x10112xi32, #tpu.memory_space<hbm>>
      %dma_wait3A_14 = tpu.memref_squeeze %dma_wait3A_13 : memref<1x1x1x10112xi32, #tpu.memory_space<hbm>> -> memref<10112xi32, #tpu.memory_space<hbm>>
      %dma_wait3A_15 = arith.constant 0 : i32
      %dma_wait3A_16 = tpu.memref_slice %arg4[%arg0, %arg1, %run_scoped3A_1, %dma_wait3A_15] : memref<2x16x1x10112xi32, #tpu.memory_space<hbm>> -> memref<1x1x1x10112xi32, #tpu.memory_space<hbm>>
      %dma_wait3A_17 = tpu.memref_squeeze %dma_wait3A_16 : memref<1x1x1x10112xi32, #tpu.memory_space<hbm>> -> memref<10112xi32, #tpu.memory_space<hbm>>
      tpu.wait_dma2 semaphore(%run_scoped3A_7 : memref<!tpu.dma_semaphore, #tpu.memory_space<semaphore_mem>>) src(%dma_wait3A_17 : memref<10112xi32, #tpu.memory_space<hbm>>) dst(%arg9 : memref<10112xi32, #tpu.memory_space<vmem>>)
      tpu.yield
    }) : () -> ()
    %scan3A = arith.constant 0 : i32
    %scan3A_2 = arith.constant 79 : i32
    %scan3A_3 = arith.addi %scan3A, %scan3A_2 : i32
    %scan3A_4 = arith.constant 1 : i32
    scf.for %scan3A_7 = %scan3A to %scan3A_3 step %scan3A_4  : i32 {
      %mul3A_8 = arith.constant 1 : i32
      %mul3A_9 = arith.muli %scan3A_7, %mul3A_8 : i32
      %add3A = arith.constant 0 : i32
      %add3A_10 = arith.addi %add3A, %mul3A_9 : i32
      %mul3A_11 = arith.constant 128 : i32
      %mul3A_12 = arith.muli %add3A_10, %mul3A_11 : i32
      %dma_start3A = tpu.memref_slice %arg8[%mul3A_12] : memref<10112xi32, #tpu.memory_space<vmem>> -> memref<128xi32, #tpu.memory_space<vmem>>
      %dma_start3A_13 = arith.constant 0 : i32
      %dma_start3A_14 = arith.constant 0 : i32
      %dma_start3A_15 = tpu.memref_slice %arg2[%dma_start3A_13, %dma_start3A_14] : memref<10000x128xf32, #tpu.memory_space<hbm>> -> memref<10000x128xf32, #tpu.memory_space<hbm>>
      tpu.enqueue_indirect_dma source(%dma_start3A_15 : memref<10000x128xf32, #tpu.memory_space<hbm>>) target(%arg10 : memref<128x128xf32, #tpu.memory_space<vmem>>) offsets(%dma_start3A : memref<128xi32, #tpu.memory_space<vmem>>) semaphore(%arg11 : memref<!tpu.dma_semaphore, #tpu.memory_space<semaphore_mem>>)
      %dma_wait3A = tpu.memref_slice %arg8[%mul3A_12] : memref<10112xi32, #tpu.memory_space<vmem>> -> memref<128xi32, #tpu.memory_space<vmem>>
      %dma_wait3A_16 = arith.constant 0 : i32
      %dma_wait3A_17 = arith.constant 0 : i32
      %dma_wait3A_18 = tpu.memref_slice %arg2[%dma_wait3A_16, %dma_wait3A_17] : memref<10000x128xf32, #tpu.memory_space<hbm>> -> memref<10000x128xf32, #tpu.memory_space<hbm>>
      tpu.wait_indirect_dma semaphore(%arg11 : memref<!tpu.dma_semaphore, #tpu.memory_space<semaphore_mem>>) src(%dma_wait3A_18 : memref<10000x128xf32, #tpu.memory_space<hbm>>) dst(%arg10 : memref<128x128xf32, #tpu.memory_space<vmem>>)
      "tpu.region"() ({
        %run_scoped3A_19 = tpu.sem_alloc : memref<!tpu.dma_semaphore, #tpu.memory_space<semaphore_mem>>
        %dma_start3A_20 = tpu.memref_slice %arg9[%mul3A_12] : memref<10112xi32, #tpu.memory_space<vmem>> -> memref<128xi32, #tpu.memory_space<vmem>>
        %dma_start3A_21 = arith.constant 0 : i32
        %dma_start3A_22 = arith.constant 0 : i32
        %dma_start3A_23 = tpu.memref_slice %arg7[%dma_start3A_21, %dma_start3A_22] : memref<10112x128xf32, #tpu.memory_space<vmem_shared>> -> memref<10112x128xf32, #tpu.memory_space<vmem_shared>>
        tpu.enqueue_indirect_dma source(%arg10 : memref<128x128xf32, #tpu.memory_space<vmem>>) target(%dma_start3A_23 : memref<10112x128xf32, #tpu.memory_space<vmem_shared>>) offsets(%dma_start3A_20 : memref<128xi32, #tpu.memory_space<vmem>>) semaphore(%run_scoped3A_19 : memref<!tpu.dma_semaphore, #tpu.memory_space<semaphore_mem>>) {add = true}
        %dma_wait3A_24 = tpu.memref_slice %arg9[%mul3A_12] : memref<10112xi32, #tpu.memory_space<vmem>> -> memref<128xi32, #tpu.memory_space<vmem>>
        %dma_wait3A_25 = arith.constant 0 : i32
        %dma_wait3A_26 = arith.constant 0 : i32
        %dma_wait3A_27 = tpu.memref_slice %arg7[%dma_wait3A_25, %dma_wait3A_26] : memref<10112x128xf32, #tpu.memory_space<vmem_shared>> -> memref<10112x128xf32, #tpu.memory_space<vmem_shared>>
        tpu.wait_indirect_dma semaphore(%run_scoped3A_19 : memref<!tpu.dma_semaphore, #tpu.memory_space<semaphore_mem>>) src(%arg10 : memref<128x128xf32, #tpu.memory_space<vmem>>) dst(%dma_wait3A_27 : memref<10112x128xf32, #tpu.memory_space<vmem_shared>>)
        tpu.yield
      }) : () -> ()
    }
    %scan3A_5 = arith.constant 79 : i32
    %barrier3A_6 = arith.constant 0 : index
    tpu.barrier barrier_id(%barrier3A_6)
    "tpu.region"() ({
      %run_scoped3A_7 = tpu.sem_alloc : memref<!tpu.dma_semaphore, #tpu.memory_space<semaphore_mem>>
      %dma_start3A = arith.constant 0 : i32
      %dma_start3A_8 = tpu.memref_slice %arg6[%arg0, %mul3A_0, %dma_start3A] : memref<2x10112x128xf32, #tpu.memory_space<hbm>> -> memref<1x632x128xf32, #tpu.memory_space<hbm>>
      %dma_start3A_9 = tpu.memref_squeeze %dma_start3A_8 : memref<1x632x128xf32, #tpu.memory_space<hbm>> -> memref<632x128xf32, #tpu.memory_space<hbm>>
      %dma_start3A_10 = arith.constant 0 : i32
      %dma_start3A_11 = tpu.memref_slice %arg7[%mul3A_0, %dma_start3A_10] : memref<10112x128xf32, #tpu.memory_space<vmem_shared>> -> memref<632x128xf32, #tpu.memory_space<vmem_shared>>
      tpu.enqueue_dma source(%dma_start3A_11 : memref<632x128xf32, #tpu.memory_space<vmem_shared>>) target(%dma_start3A_9 : memref<632x128xf32, #tpu.memory_space<hbm>>) target_semaphore(%run_scoped3A_7 : memref<!tpu.dma_semaphore, #tpu.memory_space<semaphore_mem>>)
      %dma_wait3A = arith.constant 0 : i32
      %dma_wait3A_12 = tpu.memref_slice %arg6[%arg0, %mul3A_0, %dma_wait3A] : memref<2x10112x128xf32, #tpu.memory_space<hbm>> -> memref<1x632x128xf32, #tpu.memory_space<hbm>>
      %dma_wait3A_13 = tpu.memref_squeeze %dma_wait3A_12 : memref<1x632x128xf32, #tpu.memory_space<hbm>> -> memref<632x128xf32, #tpu.memory_space<hbm>>
      %dma_wait3A_14 = arith.constant 0 : i32
      %dma_wait3A_15 = tpu.memref_slice %arg7[%mul3A_0, %dma_wait3A_14] : memref<10112x128xf32, #tpu.memory_space<vmem_shared>> -> memref<632x128xf32, #tpu.memory_space<vmem_shared>>
      tpu.wait_dma2 semaphore(%run_scoped3A_7 : memref<!tpu.dma_semaphore, #tpu.memory_space<semaphore_mem>>) src(%dma_wait3A_15 : memref<632x128xf32, #tpu.memory_space<vmem_shared>>) dst(%dma_wait3A_13 : memref<632x128xf32, #tpu.memory_space<hbm>>)
      tpu.yield
    }) : () -> ()
    return
  }
}

#map = affine_map<(d0, d1) -> (0, 0)>
#map1 = affine_map<(d0, d1) -> (0, 0, 0, 0)>
#map2 = affine_map<(d0, d1) -> (0, 0, 0)>
module attributes {stable_mosaic.version = 14 : i64} {
  func.func @body(%arg0: i32, %arg1: i32, %arg2: memref<10000x128xf32, #tpu.memory_space<hbm>>, %arg3: memref<2x16x1x10112xi32, #tpu.memory_space<hbm>>, %arg4: memref<2x16x1x10112xi32, #tpu.memory_space<hbm>>, %arg5: memref<10112x128xf32, #tpu.memory_space<hbm>>, %arg6: memref<2x10112x128xf32, #tpu.memory_space<hbm>>, %arg7: memref<10112x128xf32, #tpu.memory_space<vmem_shared>>, %arg8: memref<10112xi32, #tpu.memory_space<vmem>>, %arg9: memref<10112xi32, #tpu.memory_space<vmem>>, %arg10: memref<128x128xf32, #tpu.memory_space<vmem>>, %arg11: memref<!tpu.dma_semaphore, #tpu.memory_space<semaphore_mem>>) attributes {dimension_semantics = [#tpu.dimension_semantics<core_parallel>, #tpu.dimension_semantics<subcore_parallel>], iteration_bounds = array<i64: 2, 16>, scalar_prefetch = 0 : i64, scratch_operands = 5 : i64, tpu.core_type = #tpu.core_type<sc_vector_subcore>, window_params = [{transform_indices = #map}, {transform_indices = #map1}, {transform_indices = #map1}, {transform_indices = #map}, {transform_indices = #map2}]} {
    %mul3A = arith.constant 632 : i32
    %mul3A_0 = arith.muli %arg1, %mul3A : i32
    "tpu.region"() ({
      %run_scoped3A_7 = tpu.sem_alloc : memref<!tpu.dma_semaphore, #tpu.memory_space<semaphore_mem>>
      %dma_start3A = arith.constant 0 : i32
      %dma_start3A_8 = tpu.memref_slice %arg7[%mul3A_0, %dma_start3A] : memref<10112x128xf32, #tpu.memory_space<vmem_shared>> -> memref<632x128xf32, #tpu.memory_space<vmem_shared>>
      %dma_start3A_9 = arith.constant 0 : i32
      %dma_start3A_10 = tpu.memref_slice %arg5[%mul3A_0, %dma_start3A_9] : memref<10112x128xf32, #tpu.memory_space<hbm>> -> memref<632x128xf32, #tpu.memory_space<hbm>>
      tpu.enqueue_dma source(%dma_start3A_10 : memref<632x128xf32, #tpu.memory_space<hbm>>) target(%dma_start3A_8 : memref<632x128xf32, #tpu.memory_space<vmem_shared>>) target_semaphore(%run_scoped3A_7 : memref<!tpu.dma_semaphore, #tpu.memory_space<semaphore_mem>>)
      %dma_wait3A = arith.constant 0 : i32
      %dma_wait3A_11 = tpu.memref_slice %arg7[%mul3A_0, %dma_wait3A] : memref<10112x128xf32, #tpu.memory_space<vmem_shared>> -> memref<632x128xf32, #tpu.memory_space<vmem_shared>>
      %dma_wait3A_12 = arith.constant 0 : i32
      %dma_wait3A_13 = tpu.memref_slice %arg5[%mul3A_0, %dma_wait3A_12] : memref<10112x128xf32, #tpu.memory_space<hbm>> -> memref<632x128xf32, #tpu.memory_space<hbm>>
      tpu.wait_dma2 semaphore(%run_scoped3A_7 : memref<!tpu.dma_semaphore, #tpu.memory_space<semaphore_mem>>) src(%dma_wait3A_13 : memref<632x128xf32, #tpu.memory_space<hbm>>) dst(%dma_wait3A_11 : memref<632x128xf32, #tpu.memory_space<vmem_shared>>)
      tpu.yield
    }) : () -> ()
    %barrier3A = arith.constant 0 : index
    tpu.barrier barrier_id(%barrier3A)
    %run_scoped3A = arith.constant 0 : i32
    "tpu.region"() ({
      %run_scoped3A_7 = tpu.sem_alloc : memref<!tpu.dma_semaphore, #tpu.memory_space<semaphore_mem>>
      %dma_start3A = arith.constant 0 : i32
      %dma_start3A_8 = tpu.memref_slice %arg3[%arg0, %arg1, %run_scoped3A, %dma_start3A] : memref<2x16x1x10112xi32, #tpu.memory_space<hbm>> -> memref<1x1x1x10112xi32, #tpu.memory_space<hbm>>
      %dma_start3A_9 = tpu.memref_squeeze %dma_start3A_8 : memref<1x1x1x10112xi32, #tpu.memory_space<hbm>> -> memref<10112xi32, #tpu.memory_space<hbm>>
      %dma_start3A_10 = arith.constant 0 : i32
      %dma_start3A_11 = tpu.memref_slice %arg3[%arg0, %arg1, %run_scoped3A, %dma_start3A_10] : memref<2x16x1x10112xi32, #tpu.memory_space<hbm>> -> memref<1x1x1x10112xi32, #tpu.memory_space<hbm>>
      %dma_start3A_12 = tpu.memref_squeeze %dma_start3A_11 : memref<1x1x1x10112xi32, #tpu.memory_space<hbm>> -> memref<10112xi32, #tpu.memory_space<hbm>>
      tpu.enqueue_dma source(%dma_start3A_12 : memref<10112xi32, #tpu.memory_space<hbm>>) target(%arg8 : memref<10112xi32, #tpu.memory_space<vmem>>) target_semaphore(%run_scoped3A_7 : memref<!tpu.dma_semaphore, #tpu.memory_space<semaphore_mem>>)
      %dma_wait3A = arith.constant 0 : i32
      %dma_wait3A_13 = tpu.memref_slice %arg3[%arg0, %arg1, %run_scoped3A, %dma_wait3A] : memref<2x16x1x10112xi32, #tpu.memory_space<hbm>> -> memref<1x1x1x10112xi32, #tpu.memory_space<hbm>>
      %dma_wait3A_14 = tpu.memref_squeeze %dma_wait3A_13 : memref<1x1x1x10112xi32, #tpu.memory_space<hbm>> -> memref<10112xi32, #tpu.memory_space<hbm>>
      %dma_wait3A_15 = arith.constant 0 : i32
      %dma_wait3A_16 = tpu.memref_slice %arg3[%arg0, %arg1, %run_scoped3A, %dma_wait3A_15] : memref<2x16x1x10112xi32, #tpu.memory_space<hbm>> -> memref<1x1x1x10112xi32, #tpu.memory_space<hbm>>
      %dma_wait3A_17 = tpu.memref_squeeze %dma_wait3A_16 : memref<1x1x1x10112xi32, #tpu.memory_space<hbm>> -> memref<10112xi32, #tpu.memory_space<hbm>>
      tpu.wait_dma2 semaphore(%run_scoped3A_7 : memref<!tpu.dma_semaphore, #tpu.memory_space<semaphore_mem>>) src(%dma_wait3A_17 : memref<10112xi32, #tpu.memory_space<hbm>>) dst(%arg8 : memref<10112xi32, #tpu.memory_space<vmem>>)
      tpu.yield
    }) : () -> ()
    %run_scoped3A_1 = arith.constant 0 : i32
    "tpu.region"() ({
      %run_scoped3A_7 = tpu.sem_alloc : memref<!tpu.dma_semaphore, #tpu.memory_space<semaphore_mem>>
      %dma_start3A = arith.constant 0 : i32
      %dma_start3A_8 = tpu.memref_slice %arg4[%arg0, %arg1, %run_scoped3A_1, %dma_start3A] : memref<2x16x1x10112xi32, #tpu.memory_space<hbm>> -> memref<1x1x1x10112xi32, #tpu.memory_space<hbm>>
      %dma_start3A_9 = tpu.memref_squeeze %dma_start3A_8 : memref<1x1x1x10112xi32, #tpu.memory_space<hbm>> -> memref<10112xi32, #tpu.memory_space<hbm>>
      %dma_start3A_10 = arith.constant 0 : i32
      %dma_start3A_11 = tpu.memref_slice %arg4[%arg0, %arg1, %run_scoped3A_1, %dma_start3A_10] : memref<2x16x1x10112xi32, #tpu.memory_space<hbm>> -> memref<1x1x1x10112xi32, #tpu.memory_space<hbm>>
      %dma_start3A_12 = tpu.memref_squeeze %dma_start3A_11 : memref<1x1x1x10112xi32, #tpu.memory_space<hbm>> -> memref<10112xi32, #tpu.memory_space<hbm>>
      tpu.enqueue_dma source(%dma_start3A_12 : memref<10112xi32, #tpu.memory_space<hbm>>) target(%arg9 : memref<10112xi32, #tpu.memory_space<vmem>>) target_semaphore(%run_scoped3A_7 : memref<!tpu.dma_semaphore, #tpu.memory_space<semaphore_mem>>)
      %dma_wait3A = arith.constant 0 : i32
      %dma_wait3A_13 = tpu.memref_slice %arg4[%arg0, %arg1, %run_scoped3A_1, %dma_wait3A] : memref<2x16x1x10112xi32, #tpu.memory_space<hbm>> -> memref<1x1x1x10112xi32, #tpu.memory_space<hbm>>
      %dma_wait3A_14 = tpu.memref_squeeze %dma_wait3A_13 : memref<1x1x1x10112xi32, #tpu.memory_space<hbm>> -> memref<10112xi32, #tpu.memory_space<hbm>>
      %dma_wait3A_15 = arith.constant 0 : i32
      %dma_wait3A_16 = tpu.memref_slice %arg4[%arg0, %arg1, %run_scoped3A_1, %dma_wait3A_15] : memref<2x16x1x10112xi32, #tpu.memory_space<hbm>> -> memref<1x1x1x10112xi32, #tpu.memory_space<hbm>>
      %dma_wait3A_17 = tpu.memref_squeeze %dma_wait3A_16 : memref<1x1x1x10112xi32, #tpu.memory_space<hbm>> -> memref<10112xi32, #tpu.memory_space<hbm>>
      tpu.wait_dma2 semaphore(%run_scoped3A_7 : memref<!tpu.dma_semaphore, #tpu.memory_space<semaphore_mem>>) src(%dma_wait3A_17 : memref<10112xi32, #tpu.memory_space<hbm>>) dst(%arg9 : memref<10112xi32, #tpu.memory_space<vmem>>)
      tpu.yield
    }) : () -> ()
    %scan3A = arith.constant 0 : i32
    %scan3A_2 = arith.constant 79 : i32
    %scan3A_3 = arith.addi %scan3A, %scan3A_2 : i32
    %scan3A_4 = arith.constant 1 : i32
    scf.for %scan3A_7 = %scan3A to %scan3A_3 step %scan3A_4  : i32 {
      %mul3A_8 = arith.constant 1 : i32
      %mul3A_9 = arith.muli %scan3A_7, %mul3A_8 : i32
      %add3A = arith.constant 0 : i32
      %add3A_10 = arith.addi %add3A, %mul3A_9 : i32
      %mul3A_11 = arith.constant 128 : i32
      %mul3A_12 = arith.muli %add3A_10, %mul3A_11 : i32
      %dma_start3A = tpu.memref_slice %arg8[%mul3A_12] : memref<10112xi32, #tpu.memory_space<vmem>> -> memref<128xi32, #tpu.memory_space<vmem>>
      %dma_start3A_13 = arith.constant 0 : i32
      %dma_start3A_14 = arith.constant 0 : i32
      %dma_start3A_15 = tpu.memref_slice %arg2[%dma_start3A_13, %dma_start3A_14] : memref<10000x128xf32, #tpu.memory_space<hbm>> -> memref<10000x128xf32, #tpu.memory_space<hbm>>
      tpu.enqueue_indirect_dma source(%dma_start3A_15 : memref<10000x128xf32, #tpu.memory_space<hbm>>) target(%arg10 : memref<128x128xf32, #tpu.memory_space<vmem>>) offsets(%dma_start3A : memref<128xi32, #tpu.memory_space<vmem>>) semaphore(%arg11 : memref<!tpu.dma_semaphore, #tpu.memory_space<semaphore_mem>>)
      %dma_wait3A = tpu.memref_slice %arg8[%mul3A_12] : memref<10112xi32, #tpu.memory_space<vmem>> -> memref<128xi32, #tpu.memory_space<vmem>>
      %dma_wait3A_16 = arith.constant 0 : i32
      %dma_wait3A_17 = arith.constant 0 : i32
      %dma_wait3A_18 = tpu.memref_slice %arg2[%dma_wait3A_16, %dma_wait3A_17] : memref<10000x128xf32, #tpu.memory_space<hbm>> -> memref<10000x128xf32, #tpu.memory_space<hbm>>
      tpu.wait_indirect_dma semaphore(%arg11 : memref<!tpu.dma_semaphore, #tpu.memory_space<semaphore_mem>>) src(%dma_wait3A_18 : memref<10000x128xf32, #tpu.memory_space<hbm>>) dst(%arg10 : memref<128x128xf32, #tpu.memory_space<vmem>>)
      "tpu.region"() ({
        %run_scoped3A_19 = tpu.sem_alloc : memref<!tpu.dma_semaphore, #tpu.memory_space<semaphore_mem>>
        %dma_start3A_20 = tpu.memref_slice %arg9[%mul3A_12] : memref<10112xi32, #tpu.memory_space<vmem>> -> memref<128xi32, #tpu.memory_space<vmem>>
        %dma_start3A_21 = arith.constant 0 : i32
        %dma_start3A_22 = arith.constant 0 : i32
        %dma_start3A_23 = tpu.memref_slice %arg7[%dma_start3A_21, %dma_start3A_22] : memref<10112x128xf32, #tpu.memory_space<vmem_shared>> -> memref<10112x128xf32, #tpu.memory_space<vmem_shared>>
        tpu.enqueue_indirect_dma source(%arg10 : memref<128x128xf32, #tpu.memory_space<vmem>>) target(%dma_start3A_23 : memref<10112x128xf32, #tpu.memory_space<vmem_shared>>) offsets(%dma_start3A_20 : memref<128xi32, #tpu.memory_space<vmem>>) semaphore(%run_scoped3A_19 : memref<!tpu.dma_semaphore, #tpu.memory_space<semaphore_mem>>) {add = true}
        %dma_wait3A_24 = tpu.memref_slice %arg9[%mul3A_12] : memref<10112xi32, #tpu.memory_space<vmem>> -> memref<128xi32, #tpu.memory_space<vmem>>
        %dma_wait3A_25 = arith.constant 0 : i32
        %dma_wait3A_26 = arith.constant 0 : i32
        %dma_wait3A_27 = tpu.memref_slice %arg7[%dma_wait3A_25, %dma_wait3A_26] : memref<10112x128xf32, #tpu.memory_space<vmem_shared>> -> memref<10112x128xf32, #tpu.memory_space<vmem_shared>>
        tpu.wait_indirect_dma semaphore(%run_scoped3A_19 : memref<!tpu.dma_semaphore, #tpu.memory_space<semaphore_mem>>) src(%arg10 : memref<128x128xf32, #tpu.memory_space<vmem>>) dst(%dma_wait3A_27 : memref<10112x128xf32, #tpu.memory_space<vmem_shared>>)
        tpu.yield
      }) : () -> ()
    }
    %scan3A_5 = arith.constant 79 : i32
    %barrier3A_6 = arith.constant 0 : index
    tpu.barrier barrier_id(%barrier3A_6)
    "tpu.region"() ({
      %run_scoped3A_7 = tpu.sem_alloc : memref<!tpu.dma_semaphore, #tpu.memory_space<semaphore_mem>>
      %dma_start3A = arith.constant 0 : i32
      %dma_start3A_8 = tpu.memref_slice %arg6[%arg0, %mul3A_0, %dma_start3A] : memref<2x10112x128xf32, #tpu.memory_space<hbm>> -> memref<1x632x128xf32, #tpu.memory_space<hbm>>
      %dma_start3A_9 = tpu.memref_squeeze %dma_start3A_8 : memref<1x632x128xf32, #tpu.memory_space<hbm>> -> memref<632x128xf32, #tpu.memory_space<hbm>>
      %dma_start3A_10 = arith.constant 0 : i32
      %dma_start3A_11 = tpu.memref_slice %arg7[%mul3A_0, %dma_start3A_10] : memref<10112x128xf32, #tpu.memory_space<vmem_shared>> -> memref<632x128xf32, #tpu.memory_space<vmem_shared>>
      tpu.enqueue_dma source(%dma_start3A_11 : memref<632x128xf32, #tpu.memory_space<vmem_shared>>) target(%dma_start3A_9 : memref<632x128xf32, #tpu.memory_space<hbm>>) target_semaphore(%run_scoped3A_7 : memref<!tpu.dma_semaphore, #tpu.memory_space<semaphore_mem>>)
      %dma_wait3A = arith.constant 0 : i32
      %dma_wait3A_12 = tpu.memref_slice %arg6[%arg0, %mul3A_0, %dma_wait3A] : memref<2x10112x128xf32, #tpu.memory_space<hbm>> -> memref<1x632x128xf32, #tpu.memory_space<hbm>>
      %dma_wait3A_13 = tpu.memref_squeeze %dma_wait3A_12 : memref<1x632x128xf32, #tpu.memory_space<hbm>> -> memref<632x128xf32, #tpu.memory_space<hbm>>
      %dma_wait3A_14 = arith.constant 0 : i32
      %dma_wait3A_15 = tpu.memref_slice %arg7[%mul3A_0, %dma_wait3A_14] : memref<10112x128xf32, #tpu.memory_space<vmem_shared>> -> memref<632x128xf32, #tpu.memory_space<vmem_shared>>
      tpu.wait_dma2 semaphore(%run_scoped3A_7 : memref<!tpu.dma_semaphore, #tpu.memory_space<semaphore_mem>>) src(%dma_wait3A_15 : memref<632x128xf32, #tpu.memory_space<vmem_shared>>) dst(%dma_wait3A_13 : memref<632x128xf32, #tpu.memory_space<hbm>>)
      tpu.yield
    }) : () -> ()
    return
  }
}

#map = affine_map<(d0, d1) -> (0, 0)>
#map1 = affine_map<(d0, d1) -> (0, 0, 0, 0)>
#map2 = affine_map<(d0, d1) -> (0, 0, 0)>
module attributes {stable_mosaic.version = 14 : i64} {
  func.func @body(%arg0: i32, %arg1: i32, %arg2: memref<10000x128xf32, #tpu.memory_space<hbm>>, %arg3: memref<2x16x1x10112xi32, #tpu.memory_space<hbm>>, %arg4: memref<2x16x1x10112xi32, #tpu.memory_space<hbm>>, %arg5: memref<10112x128xf32, #tpu.memory_space<hbm>>, %arg6: memref<2x10112x128xf32, #tpu.memory_space<hbm>>, %arg7: memref<10112x128xf32, #tpu.memory_space<vmem_shared>>, %arg8: memref<10112xi32, #tpu.memory_space<vmem>>, %arg9: memref<10112xi32, #tpu.memory_space<vmem>>, %arg10: memref<128x128xf32, #tpu.memory_space<vmem>>, %arg11: memref<!tpu.dma_semaphore, #tpu.memory_space<semaphore_mem>>) attributes {dimension_semantics = [#tpu.dimension_semantics<core_parallel>, #tpu.dimension_semantics<subcore_parallel>], iteration_bounds = array<i64: 2, 16>, scalar_prefetch = 0 : i64, scratch_operands = 5 : i64, tpu.core_type = #tpu.core_type<sc_vector_subcore>, window_params = [{transform_indices = #map}, {transform_indices = #map1}, {transform_indices = #map1}, {transform_indices = #map}, {transform_indices = #map2}]} {
    %mul3A = arith.constant 632 : i32
    %mul3A_0 = arith.muli %arg1, %mul3A : i32
    "tpu.region"() ({
      %run_scoped3A_7 = tpu.sem_alloc : memref<!tpu.dma_semaphore, #tpu.memory_space<semaphore_mem>>
      %dma_start3A = arith.constant 0 : i32
      %dma_start3A_8 = tpu.memref_slice %arg7[%mul3A_0, %dma_start3A] : memref<10112x128xf32, #tpu.memory_space<vmem_shared>> -> memref<632x128xf32, #tpu.memory_space<vmem_shared>>
      %dma_start3A_9 = arith.constant 0 : i32
      %dma_start3A_10 = tpu.memref_slice %arg5[%mul3A_0, %dma_start3A_9] : memref<10112x128xf32, #tpu.memory_space<hbm>> -> memref<632x128xf32, #tpu.memory_space<hbm>>
      tpu.enqueue_dma source(%dma_start3A_10 : memref<632x128xf32, #tpu.memory_space<hbm>>) target(%dma_start3A_8 : memref<632x128xf32, #tpu.memory_space<vmem_shared>>) target_semaphore(%run_scoped3A_7 : memref<!tpu.dma_semaphore, #tpu.memory_space<semaphore_mem>>)
      %dma_wait3A = arith.constant 0 : i32
      %dma_wait3A_11 = tpu.memref_slice %arg7[%mul3A_0, %dma_wait3A] : memref<10112x128xf32, #tpu.memory_space<vmem_shared>> -> memref<632x128xf32, #tpu.memory_space<vmem_shared>>
      %dma_wait3A_12 = arith.constant 0 : i32
      %dma_wait3A_13 = tpu.memref_slice %arg5[%mul3A_0, %dma_wait3A_12] : memref<10112x128xf32, #tpu.memory_space<hbm>> -> memref<632x128xf32, #tpu.memory_space<hbm>>
      tpu.wait_dma2 semaphore(%run_scoped3A_7 : memref<!tpu.dma_semaphore, #tpu.memory_space<semaphore_mem>>) src(%dma_wait3A_13 : memref<632x128xf32, #tpu.memory_space<hbm>>) dst(%dma_wait3A_11 : memref<632x128xf32, #tpu.memory_space<vmem_shared>>)
      tpu.yield
    }) : () -> ()
    %barrier3A = arith.constant 0 : index
    tpu.barrier barrier_id(%barrier3A)
    %run_scoped3A = arith.constant 0 : i32
    "tpu.region"() ({
      %run_scoped3A_7 = tpu.sem_alloc : memref<!tpu.dma_semaphore, #tpu.memory_space<semaphore_mem>>
      %dma_start3A = arith.constant 0 : i32
      %dma_start3A_8 = tpu.memref_slice %arg3[%arg0, %arg1, %run_scoped3A, %dma_start3A] : memref<2x16x1x10112xi32, #tpu.memory_space<hbm>> -> memref<1x1x1x10112xi32, #tpu.memory_space<hbm>>
      %dma_start3A_9 = tpu.memref_squeeze %dma_start3A_8 : memref<1x1x1x10112xi32, #tpu.memory_space<hbm>> -> memref<10112xi32, #tpu.memory_space<hbm>>
      %dma_start3A_10 = arith.constant 0 : i32
      %dma_start3A_11 = tpu.memref_slice %arg3[%arg0, %arg1, %run_scoped3A, %dma_start3A_10] : memref<2x16x1x10112xi32, #tpu.memory_space<hbm>> -> memref<1x1x1x10112xi32, #tpu.memory_space<hbm>>
      %dma_start3A_12 = tpu.memref_squeeze %dma_start3A_11 : memref<1x1x1x10112xi32, #tpu.memory_space<hbm>> -> memref<10112xi32, #tpu.memory_space<hbm>>
      tpu.enqueue_dma source(%dma_start3A_12 : memref<10112xi32, #tpu.memory_space<hbm>>) target(%arg8 : memref<10112xi32, #tpu.memory_space<vmem>>) target_semaphore(%run_scoped3A_7 : memref<!tpu.dma_semaphore, #tpu.memory_space<semaphore_mem>>)
      %dma_wait3A = arith.constant 0 : i32
      %dma_wait3A_13 = tpu.memref_slice %arg3[%arg0, %arg1, %run_scoped3A, %dma_wait3A] : memref<2x16x1x10112xi32, #tpu.memory_space<hbm>> -> memref<1x1x1x10112xi32, #tpu.memory_space<hbm>>
      %dma_wait3A_14 = tpu.memref_squeeze %dma_wait3A_13 : memref<1x1x1x10112xi32, #tpu.memory_space<hbm>> -> memref<10112xi32, #tpu.memory_space<hbm>>
      %dma_wait3A_15 = arith.constant 0 : i32
      %dma_wait3A_16 = tpu.memref_slice %arg3[%arg0, %arg1, %run_scoped3A, %dma_wait3A_15] : memref<2x16x1x10112xi32, #tpu.memory_space<hbm>> -> memref<1x1x1x10112xi32, #tpu.memory_space<hbm>>
      %dma_wait3A_17 = tpu.memref_squeeze %dma_wait3A_16 : memref<1x1x1x10112xi32, #tpu.memory_space<hbm>> -> memref<10112xi32, #tpu.memory_space<hbm>>
      tpu.wait_dma2 semaphore(%run_scoped3A_7 : memref<!tpu.dma_semaphore, #tpu.memory_space<semaphore_mem>>) src(%dma_wait3A_17 : memref<10112xi32, #tpu.memory_space<hbm>>) dst(%arg8 : memref<10112xi32, #tpu.memory_space<vmem>>)
      tpu.yield
    }) : () -> ()
    %run_scoped3A_1 = arith.constant 0 : i32
    "tpu.region"() ({
      %run_scoped3A_7 = tpu.sem_alloc : memref<!tpu.dma_semaphore, #tpu.memory_space<semaphore_mem>>
      %dma_start3A = arith.constant 0 : i32
      %dma_start3A_8 = tpu.memref_slice %arg4[%arg0, %arg1, %run_scoped3A_1, %dma_start3A] : memref<2x16x1x10112xi32, #tpu.memory_space<hbm>> -> memref<1x1x1x10112xi32, #tpu.memory_space<hbm>>
      %dma_start3A_9 = tpu.memref_squeeze %dma_start3A_8 : memref<1x1x1x10112xi32, #tpu.memory_space<hbm>> -> memref<10112xi32, #tpu.memory_space<hbm>>
      %dma_start3A_10 = arith.constant 0 : i32
      %dma_start3A_11 = tpu.memref_slice %arg4[%arg0, %arg1, %run_scoped3A_1, %dma_start3A_10] : memref<2x16x1x10112xi32, #tpu.memory_space<hbm>> -> memref<1x1x1x10112xi32, #tpu.memory_space<hbm>>
      %dma_start3A_12 = tpu.memref_squeeze %dma_start3A_11 : memref<1x1x1x10112xi32, #tpu.memory_space<hbm>> -> memref<10112xi32, #tpu.memory_space<hbm>>
      tpu.enqueue_dma source(%dma_start3A_12 : memref<10112xi32, #tpu.memory_space<hbm>>) target(%arg9 : memref<10112xi32, #tpu.memory_space<vmem>>) target_semaphore(%run_scoped3A_7 : memref<!tpu.dma_semaphore, #tpu.memory_space<semaphore_mem>>)
      %dma_wait3A = arith.constant 0 : i32
      %dma_wait3A_13 = tpu.memref_slice %arg4[%arg0, %arg1, %run_scoped3A_1, %dma_wait3A] : memref<2x16x1x10112xi32, #tpu.memory_space<hbm>> -> memref<1x1x1x10112xi32, #tpu.memory_space<hbm>>
      %dma_wait3A_14 = tpu.memref_squeeze %dma_wait3A_13 : memref<1x1x1x10112xi32, #tpu.memory_space<hbm>> -> memref<10112xi32, #tpu.memory_space<hbm>>
      %dma_wait3A_15 = arith.constant 0 : i32
      %dma_wait3A_16 = tpu.memref_slice %arg4[%arg0, %arg1, %run_scoped3A_1, %dma_wait3A_15] : memref<2x16x1x10112xi32, #tpu.memory_space<hbm>> -> memref<1x1x1x10112xi32, #tpu.memory_space<hbm>>
      %dma_wait3A_17 = tpu.memref_squeeze %dma_wait3A_16 : memref<1x1x1x10112xi32, #tpu.memory_space<hbm>> -> memref<10112xi32, #tpu.memory_space<hbm>>
      tpu.wait_dma2 semaphore(%run_scoped3A_7 : memref<!tpu.dma_semaphore, #tpu.memory_space<semaphore_mem>>) src(%dma_wait3A_17 : memref<10112xi32, #tpu.memory_space<hbm>>) dst(%arg9 : memref<10112xi32, #tpu.memory_space<vmem>>)
      tpu.yield
    }) : () -> ()
    %scan3A = arith.constant 0 : i32
    %scan3A_2 = arith.constant 79 : i32
    %scan3A_3 = arith.addi %scan3A, %scan3A_2 : i32
    %scan3A_4 = arith.constant 1 : i32
    scf.for %scan3A_7 = %scan3A to %scan3A_3 step %scan3A_4  : i32 {
      %mul3A_8 = arith.constant 1 : i32
      %mul3A_9 = arith.muli %scan3A_7, %mul3A_8 : i32
      %add3A = arith.constant 0 : i32
      %add3A_10 = arith.addi %add3A, %mul3A_9 : i32
      %mul3A_11 = arith.constant 128 : i32
      %mul3A_12 = arith.muli %add3A_10, %mul3A_11 : i32
      %dma_start3A = tpu.memref_slice %arg8[%mul3A_12] : memref<10112xi32, #tpu.memory_space<vmem>> -> memref<128xi32, #tpu.memory_space<vmem>>
      %dma_start3A_13 = arith.constant 0 : i32
      %dma_start3A_14 = arith.constant 0 : i32
      %dma_start3A_15 = tpu.memref_slice %arg2[%dma_start3A_13, %dma_start3A_14] : memref<10000x128xf32, #tpu.memory_space<hbm>> -> memref<10000x128xf32, #tpu.memory_space<hbm>>
      tpu.enqueue_indirect_dma source(%dma_start3A_15 : memref<10000x128xf32, #tpu.memory_space<hbm>>) target(%arg10 : memref<128x128xf32, #tpu.memory_space<vmem>>) offsets(%dma_start3A : memref<128xi32, #tpu.memory_space<vmem>>) semaphore(%arg11 : memref<!tpu.dma_semaphore, #tpu.memory_space<semaphore_mem>>)
      %dma_wait3A = tpu.memref_slice %arg8[%mul3A_12] : memref<10112xi32, #tpu.memory_space<vmem>> -> memref<128xi32, #tpu.memory_space<vmem>>
      %dma_wait3A_16 = arith.constant 0 : i32
      %dma_wait3A_17 = arith.constant 0 : i32
      %dma_wait3A_18 = tpu.memref_slice %arg2[%dma_wait3A_16, %dma_wait3A_17] : memref<10000x128xf32, #tpu.memory_space<hbm>> -> memref<10000x128xf32, #tpu.memory_space<hbm>>
      tpu.wait_indirect_dma semaphore(%arg11 : memref<!tpu.dma_semaphore, #tpu.memory_space<semaphore_mem>>) src(%dma_wait3A_18 : memref<10000x128xf32, #tpu.memory_space<hbm>>) dst(%arg10 : memref<128x128xf32, #tpu.memory_space<vmem>>)
      "tpu.region"() ({
        %run_scoped3A_19 = tpu.sem_alloc : memref<!tpu.dma_semaphore, #tpu.memory_space<semaphore_mem>>
        %dma_start3A_20 = tpu.memref_slice %arg9[%mul3A_12] : memref<10112xi32, #tpu.memory_space<vmem>> -> memref<128xi32, #tpu.memory_space<vmem>>
        %dma_start3A_21 = arith.constant 0 : i32
        %dma_start3A_22 = arith.constant 0 : i32
        %dma_start3A_23 = tpu.memref_slice %arg7[%dma_start3A_21, %dma_start3A_22] : memref<10112x128xf32, #tpu.memory_space<vmem_shared>> -> memref<10112x128xf32, #tpu.memory_space<vmem_shared>>
        tpu.enqueue_indirect_dma source(%arg10 : memref<128x128xf32, #tpu.memory_space<vmem>>) target(%dma_start3A_23 : memref<10112x128xf32, #tpu.memory_space<vmem_shared>>) offsets(%dma_start3A_20 : memref<128xi32, #tpu.memory_space<vmem>>) semaphore(%run_scoped3A_19 : memref<!tpu.dma_semaphore, #tpu.memory_space<semaphore_mem>>) {add = true}
        %dma_wait3A_24 = tpu.memref_slice %arg9[%mul3A_12] : memref<10112xi32, #tpu.memory_space<vmem>> -> memref<128xi32, #tpu.memory_space<vmem>>
        %dma_wait3A_25 = arith.constant 0 : i32
        %dma_wait3A_26 = arith.constant 0 : i32
        %dma_wait3A_27 = tpu.memref_slice %arg7[%dma_wait3A_25, %dma_wait3A_26] : memref<10112x128xf32, #tpu.memory_space<vmem_shared>> -> memref<10112x128xf32, #tpu.memory_space<vmem_shared>>
        tpu.wait_indirect_dma semaphore(%run_scoped3A_19 : memref<!tpu.dma_semaphore, #tpu.memory_space<semaphore_mem>>) src(%arg10 : memref<128x128xf32, #tpu.memory_space<vmem>>) dst(%dma_wait3A_27 : memref<10112x128xf32, #tpu.memory_space<vmem_shared>>)
        tpu.yield
      }) : () -> ()
    }
    %scan3A_5 = arith.constant 79 : i32
    %barrier3A_6 = arith.constant 0 : index
    tpu.barrier barrier_id(%barrier3A_6)
    "tpu.region"() ({
      %run_scoped3A_7 = tpu.sem_alloc : memref<!tpu.dma_semaphore, #tpu.memory_space<semaphore_mem>>
      %dma_start3A = arith.constant 0 : i32
      %dma_start3A_8 = tpu.memref_slice %arg6[%arg0, %mul3A_0, %dma_start3A] : memref<2x10112x128xf32, #tpu.memory_space<hbm>> -> memref<1x632x128xf32, #tpu.memory_space<hbm>>
      %dma_start3A_9 = tpu.memref_squeeze %dma_start3A_8 : memref<1x632x128xf32, #tpu.memory_space<hbm>> -> memref<632x128xf32, #tpu.memory_space<hbm>>
      %dma_start3A_10 = arith.constant 0 : i32
      %dma_start3A_11 = tpu.memref_slice %arg7[%mul3A_0, %dma_start3A_10] : memref<10112x128xf32, #tpu.memory_space<vmem_shared>> -> memref<632x128xf32, #tpu.memory_space<vmem_shared>>
      tpu.enqueue_dma source(%dma_start3A_11 : memref<632x128xf32, #tpu.memory_space<vmem_shared>>) target(%dma_start3A_9 : memref<632x128xf32, #tpu.memory_space<hbm>>) target_semaphore(%run_scoped3A_7 : memref<!tpu.dma_semaphore, #tpu.memory_space<semaphore_mem>>)
      %dma_wait3A = arith.constant 0 : i32
      %dma_wait3A_12 = tpu.memref_slice %arg6[%arg0, %mul3A_0, %dma_wait3A] : memref<2x10112x128xf32, #tpu.memory_space<hbm>> -> memref<1x632x128xf32, #tpu.memory_space<hbm>>
      %dma_wait3A_13 = tpu.memref_squeeze %dma_wait3A_12 : memref<1x632x128xf32, #tpu.memory_space<hbm>> -> memref<632x128xf32, #tpu.memory_space<hbm>>
      %dma_wait3A_14 = arith.constant 0 : i32
      %dma_wait3A_15 = tpu.memref_slice %arg7[%mul3A_0, %dma_wait3A_14] : memref<10112x128xf32, #tpu.memory_space<vmem_shared>> -> memref<632x128xf32, #tpu.memory_space<vmem_shared>>
      tpu.wait_dma2 semaphore(%run_scoped3A_7 : memref<!tpu.dma_semaphore, #tpu.memory_space<semaphore_mem>>) src(%dma_wait3A_15 : memref<632x128xf32, #tpu.memory_space<vmem_shared>>) dst(%dma_wait3A_13 : memref<632x128xf32, #tpu.memory_space<hbm>>)
      tpu.yield
    }) : () -> ()
    return
  }
}

module attributes {stable_mosaic.version = 14 : i64} {
  func.func @_embed_body(%arg0: i32, %arg1: memref<1x1000x1xi32, #tpu.memory_space<vmem>>, %arg2: memref<1x1000x1xi32, #tpu.memory_space<vmem>>, %arg3: memref<1x1000x1xi32, #tpu.memory_space<vmem>>, %arg4: memref<24x128xf32, #tpu.memory_space<vmem>>, %arg5: memref<3x128x128xf32, #tpu.memory_space<vmem>>, %arg6: memref<1x128xf32, #tpu.memory_space<vmem>>, %arg7: memref<1000x128xf32, #tpu.memory_space<vmem>>) attributes {dimension_semantics = [#tpu.dimension_semantics<arbitrary>], iteration_bounds = array<i64: 10>, scalar_prefetch = 0 : i64, scratch_operands = 0 : i64, tpu.core_type = #tpu.core_type<tc>, window_params = [{transform_indices = @transform_0, window_bounds = array<i64: 1, 1000, 1>}, {transform_indices = @transform_1, window_bounds = array<i64: 1, 1000, 1>}, {transform_indices = @transform_2, window_bounds = array<i64: 1, 1000, 1>}, {pipeline_mode = #tpu.pipeline_mode<synchronous>, transform_indices = @transform_3, window_bounds = array<i64: 24, 128>}, {pipeline_mode = #tpu.pipeline_mode<synchronous>, transform_indices = @transform_4, window_bounds = array<i64: 3, 128, 128>}, {pipeline_mode = #tpu.pipeline_mode<synchronous>, transform_indices = @transform_5, window_bounds = array<i64: 1, 128>}, {transform_indices = @transform_6, window_bounds = array<i64: 1000, 128>}]} {
    %get3A = arith.constant 0 : index
    %get3A_0 = arith.constant 0 : index
    %get3A_1 = arith.constant 0 : index
    %get3A_2 = vector.load %arg1[%get3A, %get3A_0, %get3A_1] : memref<1x1000x1xi32, #tpu.memory_space<vmem>>, vector<1x1000x1xi32>
    %get3A_3 = vector.shape_cast %get3A_2 : vector<1x1000x1xi32> to vector<1000x1xi32>
    %get3A_4 = arith.constant 0 : index
    %get3A_5 = arith.constant 0 : index
    %get3A_6 = arith.constant 0 : index
    %get3A_7 = vector.load %arg2[%get3A_4, %get3A_5, %get3A_6] : memref<1x1000x1xi32, #tpu.memory_space<vmem>>, vector<1x1000x1xi32>
    %get3A_8 = vector.shape_cast %get3A_7 : vector<1x1000x1xi32> to vector<1000x1xi32>
    %get3A_9 = arith.constant 0 : index
    %get3A_10 = arith.constant 0 : index
    %get3A_11 = arith.constant 0 : index
    %get3A_12 = vector.load %arg3[%get3A_9, %get3A_10, %get3A_11] : memref<1x1000x1xi32, #tpu.memory_space<vmem>>, vector<1x1000x1xi32>
    %get3A_13 = vector.shape_cast %get3A_12 : vector<1x1000x1xi32> to vector<1000x1xi32>
    %iota3A = tpu.iota {dimensions = array<i32: 1>} : vector<1000x24xi32>
    %jit3A = arith.constant 0 : i32
    %jit3A_14 = arith.constant 7 : i32
    %max3A = vector.broadcast %jit3A : i32 to vector<1000x1xi32>
    %max3A_15 = arith.maxsi %max3A, %get3A_3 : vector<1000x1xi32>
    %min3A = vector.broadcast %jit3A_14 : i32 to vector<1000x1xi32>
    %min3A_16 = arith.minsi %min3A, %max3A_15 : vector<1000x1xi32>
    %eq3A = vector.broadcast %min3A_16 : vector<1000x1xi32> to vector<1000x24xi32>
    %eq3A_17 = arith.cmpi eq, %iota3A, %eq3A : vector<1000x24xi32>
    %jit3A_18 = arith.constant 0 : i32
    %jit3A_19 = arith.constant 7 : i32
    %max3A_20 = vector.broadcast %jit3A_18 : i32 to vector<1000x1xi32>
    %max3A_21 = arith.maxsi %max3A_20, %get3A_8 : vector<1000x1xi32>
    %min3A_22 = vector.broadcast %jit3A_19 : i32 to vector<1000x1xi32>
    %min3A_23 = arith.minsi %min3A_22, %max3A_21 : vector<1000x1xi32>
    %add3A = arith.constant 8 : i32
    %add3A_24 = vector.broadcast %add3A : i32 to vector<1000x1xi32>
    %add3A_25 = arith.addi %min3A_23, %add3A_24 : vector<1000x1xi32>
    %eq3A_26 = vector.broadcast %add3A_25 : vector<1000x1xi32> to vector<1000x24xi32>
    %eq3A_27 = arith.cmpi eq, %iota3A, %eq3A_26 : vector<1000x24xi32>
    %or3A = arith.ori %eq3A_17, %eq3A_27 : vector<1000x24xi1>
    %jit3A_28 = arith.constant 0 : i32
    %jit3A_29 = arith.constant 7 : i32
    %max3A_30 = vector.broadcast %jit3A_28 : i32 to vector<1000x1xi32>
    %max3A_31 = arith.maxsi %max3A_30, %get3A_13 : vector<1000x1xi32>
    %min3A_32 = vector.broadcast %jit3A_29 : i32 to vector<1000x1xi32>
    %min3A_33 = arith.minsi %min3A_32, %max3A_31 : vector<1000x1xi32>
    %add3A_34 = arith.constant 16 : i32
    %add3A_35 = vector.broadcast %add3A_34 : i32 to vector<1000x1xi32>
    %add3A_36 = arith.addi %min3A_33, %add3A_35 : vector<1000x1xi32>
    %eq3A_37 = vector.broadcast %add3A_36 : vector<1000x1xi32> to vector<1000x24xi32>
    %eq3A_38 = arith.cmpi eq, %iota3A, %eq3A_37 : vector<1000x24xi32>
    %or3A_39 = arith.ori %or3A, %eq3A_38 : vector<1000x24xi1>
    %convert_element_type3A = arith.extui %or3A_39 : vector<1000x24xi1> to vector<1000x24xi32>
    %convert_element_type3A_40 = arith.sitofp %convert_element_type3A : vector<1000x24xi32> to vector<1000x24xf32>
    %get3A_41 = arith.constant 0 : index
    %get3A_42 = arith.constant 0 : index
    %get3A_43 = vector.load %arg4[%get3A_41, %get3A_42] : memref<24x128xf32, #tpu.memory_space<vmem>>, vector<24x128xf32>
    %get3A_44 = arith.constant 0 : index
    %get3A_45 = arith.constant 0 : index
    %get3A_46 = arith.constant 0 : index
    %get3A_47 = vector.load %arg5[%get3A_44, %get3A_45, %get3A_46] : memref<3x128x128xf32, #tpu.memory_space<vmem>>, vector<3x128x128xf32>
    %slice3A = vector.extract_strided_slice %get3A_43 {offsets = [0, 0], sizes = [8, 128], strides = [1, 1]} : vector<24x128xf32> to vector<8x128xf32>
    %slice3A_48 = vector.extract_strided_slice %get3A_47 {offsets = [0, 0, 0], sizes = [1, 128, 128], strides = [1, 1, 1]} : vector<3x128x128xf32> to vector<1x128x128xf32>
    %squeeze3A = vector.shape_cast %slice3A_48 : vector<1x128x128xf32> to vector<128x128xf32>
    %dot_general3A = arith.constant dense<0.000000e+00> : vector<8x128xf32>
    %dot_general3A_49 = tpu.matmul %slice3A, %squeeze3A, %dot_general3A {dimension_numbers = #tpu.dot_dimension_numbers<[1], [0], [0], [1], [0, 0, 1, 1], [], []>, transpose_lhs_hint = false} : vector<8x128xf32>, vector<128x128xf32>, vector<8x128xf32> -> vector<8x128xf32>
    %slice3A_50 = vector.extract_strided_slice %get3A_43 {offsets = [8, 0], sizes = [8, 128], strides = [1, 1]} : vector<24x128xf32> to vector<8x128xf32>
    %slice3A_51 = vector.extract_strided_slice %get3A_47 {offsets = [1, 0, 0], sizes = [1, 128, 128], strides = [1, 1, 1]} : vector<3x128x128xf32> to vector<1x128x128xf32>
    %squeeze3A_52 = vector.shape_cast %slice3A_51 : vector<1x128x128xf32> to vector<128x128xf32>
    %dot_general3A_53 = arith.constant dense<0.000000e+00> : vector<8x128xf32>
    %dot_general3A_54 = tpu.matmul %slice3A_50, %squeeze3A_52, %dot_general3A_53 {dimension_numbers = #tpu.dot_dimension_numbers<[1], [0], [0], [1], [0, 0, 1, 1], [], []>, transpose_lhs_hint = false} : vector<8x128xf32>, vector<128x128xf32>, vector<8x128xf32> -> vector<8x128xf32>
    %slice3A_55 = vector.extract_strided_slice %get3A_43 {offsets = [16, 0], sizes = [8, 128], strides = [1, 1]} : vector<24x128xf32> to vector<8x128xf32>
    %slice3A_56 = vector.extract_strided_slice %get3A_47 {offsets = [2, 0, 0], sizes = [1, 128, 128], strides = [1, 1, 1]} : vector<3x128x128xf32> to vector<1x128x128xf32>
    %squeeze3A_57 = vector.shape_cast %slice3A_56 : vector<1x128x128xf32> to vector<128x128xf32>
    %dot_general3A_58 = arith.constant dense<0.000000e+00> : vector<8x128xf32>
    %dot_general3A_59 = tpu.matmul %slice3A_55, %squeeze3A_57, %dot_general3A_58 {dimension_numbers = #tpu.dot_dimension_numbers<[1], [0], [0], [1], [0, 0, 1, 1], [], []>, transpose_lhs_hint = false} : vector<8x128xf32>, vector<128x128xf32>, vector<8x128xf32> -> vector<8x128xf32>
    %concatenate3A = tpu.concatenate %dot_general3A_49, %dot_general3A_54, %dot_general3A_59 in 0 : vector<8x128xf32>, vector<8x128xf32>, vector<8x128xf32> -> vector<24x128xf32>
    %dot_general3A_60 = arith.constant dense<0.000000e+00> : vector<1000x128xf32>
    %dot_general3A_61 = tpu.matmul %convert_element_type3A_40, %concatenate3A, %dot_general3A_60 {dimension_numbers = #tpu.dot_dimension_numbers<[1], [0], [0], [1], [0, 0, 1, 1], [], []>, transpose_lhs_hint = false} : vector<1000x24xf32>, vector<24x128xf32>, vector<1000x128xf32> -> vector<1000x128xf32>
    %get3A_62 = arith.constant 0 : index
    %get3A_63 = arith.constant 0 : index
    %get3A_64 = vector.load %arg6[%get3A_62, %get3A_63] : memref<1x128xf32, #tpu.memory_space<vmem>>, vector<1x128xf32>
    %add3A_65 = vector.broadcast %get3A_64 : vector<1x128xf32> to vector<1000x128xf32>
    %add3A_66 = arith.addf %dot_general3A_61, %add3A_65 : vector<1000x128xf32>
    %swap3A = arith.constant 0 : index
    %swap3A_67 = arith.constant 0 : index
    %swap3A_68 = vector.load %arg7[%swap3A, %swap3A_67] : memref<1000x128xf32, #tpu.memory_space<vmem>>, vector<1000x128xf32>
    tpu.vector_store %arg7[%swap3A, %swap3A_67], %add3A_66 {strides = array<i32>} : memref<1000x128xf32, #tpu.memory_space<vmem>>, vector<1000x128xf32>,
    return
  }
  func.func @transform_0(%arg0: i32) -> (i32, i32, i32) {
    %c0_i32 = arith.constant 0 : i32
    %c0_i32_0 = arith.constant 0 : i32
    %c0_i32_1 = arith.constant 0 : i32
    return %arg0, %c0_i32, %c0_i32_0 : i32, i32, i32
  }
  func.func @transform_1(%arg0: i32) -> (i32, i32, i32) {
    %c0_i32 = arith.constant 0 : i32
    %c0_i32_0 = arith.constant 0 : i32
    %c0_i32_1 = arith.constant 0 : i32
    return %arg0, %c0_i32, %c0_i32_0 : i32, i32, i32
  }
  func.func @transform_2(%arg0: i32) -> (i32, i32, i32) {
    %c0_i32 = arith.constant 0 : i32
    %c0_i32_0 = arith.constant 0 : i32
    %c0_i32_1 = arith.constant 0 : i32
    return %arg0, %c0_i32, %c0_i32_0 : i32, i32, i32
  }
  func.func @transform_3(%arg0: i32) -> (i32, i32) {
    %c0_i32 = arith.constant 0 : i32
    %c0_i32_0 = arith.constant 0 : i32
    %c0_i32_1 = arith.constant 0 : i32
    return %c0_i32, %c0_i32_0 : i32, i32
  }
  func.func @transform_4(%arg0: i32) -> (i32, i32, i32) {
    %c0_i32 = arith.constant 0 : i32
    %c0_i32_0 = arith.constant 0 : i32
    %c0_i32_1 = arith.constant 0 : i32
    %c0_i32_2 = arith.constant 0 : i32
    return %c0_i32, %c0_i32_0, %c0_i32_1 : i32, i32, i32
  }
  func.func @transform_5(%arg0: i32) -> (i32, i32) {
    %c0_i32 = arith.constant 0 : i32
    %c0_i32_0 = arith.constant 0 : i32
    %c0_i32_1 = arith.constant 0 : i32
    return %c0_i32, %c0_i32_0 : i32, i32
  }
  func.func @transform_6(%arg0: i32) -> (i32, i32) {
    %c0_i32 = arith.constant 0 : i32
    %c0_i32_0 = arith.constant 0 : i32
    return %arg0, %c0_i32 : i32, i32
  }
}

module attributes {stable_mosaic.version = 14 : i64} {
  func.func @_layer_body(%arg0: i32, %arg1: i32, %arg2: memref<1000x128xf32, #tpu.memory_space<vmem>>, %arg3: memref<2x1000x128xf32, #tpu.memory_space<vmem>>, %arg4: memref<128x256xf32, #tpu.memory_space<vmem>>, %arg5: memref<1x256xf32, #tpu.memory_space<vmem>>, %arg6: memref<256x128xf32, #tpu.memory_space<vmem>>, %arg7: memref<1x128xf32, #tpu.memory_space<vmem>>, %arg8: memref<1x128xf32, #tpu.memory_space<vmem>>, %arg9: memref<1x128xf32, #tpu.memory_space<vmem>>, %arg10: memref<1000x128xf32, #tpu.memory_space<vmem>>, %arg11: memref<10000x128xf32, #tpu.memory_space<vmem>>, %arg12: memref<8x128xf32, #tpu.memory_space<vmem>>) attributes {dimension_semantics = [#tpu.dimension_semantics<arbitrary>, #tpu.dimension_semantics<arbitrary>], iteration_bounds = array<i64: 2, 10>, scalar_prefetch = 0 : i64, scratch_operands = 2 : i64, tpu.core_type = #tpu.core_type<tc>, window_params = [{transform_indices = @transform_0, window_bounds = array<i64: 1000, 128>}, {transform_indices = @transform_1, window_bounds = array<i64: 2, 1000, 128>}, {pipeline_mode = #tpu.pipeline_mode<synchronous>, transform_indices = @transform_2, window_bounds = array<i64: 128, 256>}, {pipeline_mode = #tpu.pipeline_mode<synchronous>, transform_indices = @transform_3, window_bounds = array<i64: 1, 256>}, {pipeline_mode = #tpu.pipeline_mode<synchronous>, transform_indices = @transform_4, window_bounds = array<i64: 256, 128>}, {pipeline_mode = #tpu.pipeline_mode<synchronous>, transform_indices = @transform_5, window_bounds = array<i64: 1, 128>}, {pipeline_mode = #tpu.pipeline_mode<synchronous>, transform_indices = @transform_6, window_bounds = array<i64: 1, 128>}, {pipeline_mode = #tpu.pipeline_mode<synchronous>, transform_indices = @transform_7, window_bounds = array<i64: 1, 128>}, {transform_indices = @transform_8, window_bounds = array<i64: 1000, 128>}]} {
    %eq3A = arith.constant 0 : i32
    %eq3A_0 = arith.cmpi eq, %arg0, %eq3A : i32
    %convert_element_type3A = arith.extui %eq3A_0 : i1 to i32
    %cond3A = arith.constant 0 : i32
    %cond3A_1 = arith.cmpi ne, %convert_element_type3A, %cond3A : i32
    scf.if %cond3A_1 {
      %eq3A_7 = arith.constant 0 : i32
      %eq3A_8 = arith.cmpi eq, %arg1, %eq3A_7 : i32
      %convert_element_type3A_9 = arith.extui %eq3A_8 : i1 to i32
      %cond3A_10 = arith.constant 0 : i32
      %cond3A_11 = arith.cmpi ne, %convert_element_type3A_9, %cond3A_10 : i32
      scf.if %cond3A_11 {
        %broadcast_in_dim3A_68 = arith.constant 0.000000e+00 : f32
        %broadcast_in_dim3A_69 = vector.broadcast %broadcast_in_dim3A_68 : f32 to vector<8x128xf32>
        %swap3A_70 = arith.constant 0 : index
        %swap3A_71 = arith.constant 0 : index
        %swap3A_72 = vector.load %arg12[%swap3A_70, %swap3A_71] : memref<8x128xf32, #tpu.memory_space<vmem>>, vector<8x128xf32>
        tpu.vector_store %arg12[%swap3A_70, %swap3A_71], %broadcast_in_dim3A_69 {strides = array<i32>} : memref<8x128xf32, #tpu.memory_space<vmem>>, vector<8x128xf32>,
      } else {
      }
      %get3A = arith.constant 0 : index
      %get3A_12 = arith.constant 0 : index
      %get3A_13 = vector.load %arg2[%get3A, %get3A_12] : memref<1000x128xf32, #tpu.memory_space<vmem>>, vector<1000x128xf32>
      %get3A_14 = arith.constant 0 : index
      %get3A_15 = arith.constant 0 : index
      %get3A_16 = arith.constant 0 : index
      %get3A_17 = vector.load %arg3[%get3A_14, %get3A_15, %get3A_16] : memref<2x1000x128xf32, #tpu.memory_space<vmem>>, vector<1x1000x128xf32>
      %get3A_18 = vector.shape_cast %get3A_17 : vector<1x1000x128xf32> to vector<1000x128xf32>
      %add3A = arith.addf %get3A_13, %get3A_18 : vector<1000x128xf32>
      %get3A_19 = arith.constant 1 : index
      %get3A_20 = arith.constant 0 : index
      %get3A_21 = arith.constant 0 : index
      %get3A_22 = vector.load %arg3[%get3A_19, %get3A_20, %get3A_21] : memref<2x1000x128xf32, #tpu.memory_space<vmem>>, vector<1x1000x128xf32>
      %get3A_23 = vector.shape_cast %get3A_22 : vector<1x1000x128xf32> to vector<1000x128xf32>
      %add3A_24 = arith.addf %add3A, %get3A_23 : vector<1000x128xf32>
      %get3A_25 = arith.constant 0 : index
      %get3A_26 = arith.constant 0 : index
      %get3A_27 = vector.load %arg4[%get3A_25, %get3A_26] : memref<128x256xf32, #tpu.memory_space<vmem>>, vector<128x256xf32>
      %dot_general3A = arith.constant dense<0.000000e+00> : vector<1000x256xf32>
      %dot_general3A_28 = tpu.matmul %add3A_24, %get3A_27, %dot_general3A {dimension_numbers = #tpu.dot_dimension_numbers<[1], [0], [0], [1], [0, 0, 1, 1], [], []>, transpose_lhs_hint = false} : vector<1000x128xf32>, vector<128x256xf32>, vector<1000x256xf32> -> vector<1000x256xf32>
      %get3A_29 = arith.constant 0 : index
      %get3A_30 = arith.constant 0 : index
      %get3A_31 = vector.load %arg5[%get3A_29, %get3A_30] : memref<1x256xf32, #tpu.memory_space<vmem>>, vector<1x256xf32>
      %add3A_32 = vector.broadcast %get3A_31 : vector<1x256xf32> to vector<1000x256xf32>
      %add3A_33 = arith.addf %dot_general3A_28, %add3A_32 : vector<1000x256xf32>
      %max3A = arith.constant 0.000000e+00 : f32
      %max3A_34 = vector.broadcast %max3A : f32 to vector<1000x256xf32>
      %max3A_35 = arith.maximumf %add3A_33, %max3A_34 : vector<1000x256xf32>
      %get3A_36 = arith.constant 0 : index
      %get3A_37 = arith.constant 0 : index
      %get3A_38 = vector.load %arg6[%get3A_36, %get3A_37] : memref<256x128xf32, #tpu.memory_space<vmem>>, vector<256x128xf32>
      %dot_general3A_39 = arith.constant dense<0.000000e+00> : vector<1000x128xf32>
      %dot_general3A_40 = tpu.matmul %max3A_35, %get3A_38, %dot_general3A_39 {dimension_numbers = #tpu.dot_dimension_numbers<[1], [0], [0], [1], [0, 0, 1, 1], [], []>, transpose_lhs_hint = false} : vector<1000x256xf32>, vector<256x128xf32>, vector<1000x128xf32> -> vector<1000x128xf32>
      %get3A_41 = arith.constant 0 : index
      %get3A_42 = arith.constant 0 : index
      %get3A_43 = vector.load %arg7[%get3A_41, %get3A_42] : memref<1x128xf32, #tpu.memory_space<vmem>>, vector<1x128xf32>
      %add3A_44 = vector.broadcast %get3A_43 : vector<1x128xf32> to vector<1000x128xf32>
      %add3A_45 = arith.addf %dot_general3A_40, %add3A_44 : vector<1000x128xf32>
      %mul3A = arith.constant 1000 : i32
      %mul3A_46 = arith.muli %arg1, %mul3A : i32
      %swap3A = arith.index_cast %mul3A_46 : i32 to index
      %swap3A_47 = arith.constant 0 : index
      %swap3A_48 = vector.load %arg11[%swap3A, %swap3A_47] : memref<10000x128xf32, #tpu.memory_space<vmem>>, vector<1000x128xf32>
      tpu.vector_store %arg11[%swap3A, %swap3A_47], %add3A_45 {strides = array<i32>} : memref<10000x128xf32, #tpu.memory_space<vmem>>, vector<1000x128xf32>,
      %get3A_49 = arith.constant 0 : index
      %get3A_50 = arith.constant 0 : index
      %get3A_51 = vector.load %arg12[%get3A_49, %get3A_50] : memref<8x128xf32, #tpu.memory_space<vmem>>, vector<1x128xf32>
      %reduce_sum3A = arith.constant dense<0.000000e+00> : vector<128xf32>
      %reduce_sum3A_52 = vector.multi_reduction <add>, %add3A_45, %reduce_sum3A [0] : vector<1000x128xf32> to vector<128xf32>
      %broadcast_in_dim3A = vector.shape_cast %reduce_sum3A_52 : vector<128xf32> to vector<1x128xf32>
      %add3A_53 = arith.addf %get3A_51, %broadcast_in_dim3A : vector<1x128xf32>
      %swap3A_54 = arith.constant 0 : index
      %swap3A_55 = arith.constant 0 : index
      %swap3A_56 = vector.load %arg12[%swap3A_54, %swap3A_55] : memref<8x128xf32, #tpu.memory_space<vmem>>, vector<1x128xf32>
      tpu.vector_store %arg12[%swap3A_54, %swap3A_55], %add3A_53 {strides = array<i32>} : memref<8x128xf32, #tpu.memory_space<vmem>>, vector<1x128xf32>,
      %get3A_57 = arith.constant 1 : index
      %get3A_58 = arith.constant 0 : index
      %get3A_59 = vector.load %arg12[%get3A_57, %get3A_58] : memref<8x128xf32, #tpu.memory_space<vmem>>, vector<1x128xf32>
      %mul3A_60 = arith.mulf %add3A_45, %add3A_45 : vector<1000x128xf32>
      %reduce_sum3A_61 = arith.constant dense<0.000000e+00> : vector<128xf32>
      %reduce_sum3A_62 = vector.multi_reduction <add>, %mul3A_60, %reduce_sum3A_61 [0] : vector<1000x128xf32> to vector<128xf32>
      %broadcast_in_dim3A_63 = vector.shape_cast %reduce_sum3A_62 : vector<128xf32> to vector<1x128xf32>
      %add3A_64 = arith.addf %get3A_59, %broadcast_in_dim3A_63 : vector<1x128xf32>
      %swap3A_65 = arith.constant 1 : index
      %swap3A_66 = arith.constant 0 : index
      %swap3A_67 = vector.load %arg12[%swap3A_65, %swap3A_66] : memref<8x128xf32, #tpu.memory_space<vmem>>, vector<1x128xf32>
      tpu.vector_store %arg12[%swap3A_65, %swap3A_66], %add3A_64 {strides = array<i32>} : memref<8x128xf32, #tpu.memory_space<vmem>>, vector<1x128xf32>,
    } else {
    }
    %eq3A_2 = arith.constant 1 : i32
    %eq3A_3 = arith.cmpi eq, %arg0, %eq3A_2 : i32
    %convert_element_type3A_4 = arith.extui %eq3A_3 : i1 to i32
    %cond3A_5 = arith.constant 0 : i32
    %cond3A_6 = arith.cmpi ne, %convert_element_type3A_4, %cond3A_5 : i32
    scf.if %cond3A_6 {
      %get3A = arith.constant 0 : index
      %get3A_7 = arith.constant 0 : index
      %get3A_8 = vector.load %arg12[%get3A, %get3A_7] : memref<8x128xf32, #tpu.memory_space<vmem>>, vector<1x128xf32>
      %div3A = arith.constant 1.000000e+04 : f32
      %div3A_9 = vector.broadcast %div3A : f32 to vector<1x128xf32>
      %div3A_10 = arith.divf %get3A_8, %div3A_9 : vector<1x128xf32>
      %get3A_11 = arith.constant 1 : index
      %get3A_12 = arith.constant 0 : index
      %get3A_13 = vector.load %arg12[%get3A_11, %get3A_12] : memref<8x128xf32, #tpu.memory_space<vmem>>, vector<1x128xf32>
      %div3A_14 = arith.constant 1.000000e+04 : f32
      %div3A_15 = vector.broadcast %div3A_14 : f32 to vector<1x128xf32>
      %div3A_16 = arith.divf %get3A_13, %div3A_15 : vector<1x128xf32>
      %mul3A = arith.mulf %div3A_10, %div3A_10 : vector<1x128xf32>
      %sub3A = arith.subf %div3A_16, %mul3A : vector<1x128xf32>
      %add3A = arith.constant 9.99999974E-6 : f32
      %add3A_17 = vector.broadcast %add3A : f32 to vector<1x128xf32>
      %add3A_18 = arith.addf %sub3A, %add3A_17 : vector<1x128xf32>
      %sqrt3A = math.sqrt %add3A_18 : vector<1x128xf32>
      %div3A_19 = arith.constant 1.000000e+00 : f32
      %div3A_20 = vector.broadcast %div3A_19 : f32 to vector<1x128xf32>
      %div3A_21 = arith.divf %div3A_20, %sqrt3A : vector<1x128xf32>
      %mul3A_22 = arith.constant 1000 : i32
      %mul3A_23 = arith.muli %arg1, %mul3A_22 : i32
      %get3A_24 = arith.index_cast %mul3A_23 : i32 to index
      %get3A_25 = arith.constant 0 : index
      %get3A_26 = vector.load %arg11[%get3A_24, %get3A_25] : memref<10000x128xf32, #tpu.memory_space<vmem>>, vector<1000x128xf32>
      %sub3A_27 = vector.broadcast %div3A_10 : vector<1x128xf32> to vector<1000x128xf32>
      %sub3A_28 = arith.subf %get3A_26, %sub3A_27 : vector<1000x128xf32>
      %mul3A_29 = vector.broadcast %div3A_21 : vector<1x128xf32> to vector<1000x128xf32>
      %mul3A_30 = arith.mulf %sub3A_28, %mul3A_29 : vector<1000x128xf32>
      %get3A_31 = arith.constant 0 : index
      %get3A_32 = arith.constant 0 : index
      %get3A_33 = vector.load %arg8[%get3A_31, %get3A_32] : memref<1x128xf32, #tpu.memory_space<vmem>>, vector<1x128xf32>
      %mul3A_34 = vector.broadcast %get3A_33 : vector<1x128xf32> to vector<1000x128xf32>
      %mul3A_35 = arith.mulf %mul3A_30, %mul3A_34 : vector<1000x128xf32>
      %get3A_36 = arith.constant 0 : index
      %get3A_37 = arith.constant 0 : index
      %get3A_38 = vector.load %arg9[%get3A_36, %get3A_37] : memref<1x128xf32, #tpu.memory_space<vmem>>, vector<1x128xf32>
      %add3A_39 = vector.broadcast %get3A_38 : vector<1x128xf32> to vector<1000x128xf32>
      %add3A_40 = arith.addf %mul3A_35, %add3A_39 : vector<1000x128xf32>
      %max3A = arith.constant 0.000000e+00 : f32
      %max3A_41 = vector.broadcast %max3A : f32 to vector<1000x128xf32>
      %max3A_42 = arith.maximumf %add3A_40, %max3A_41 : vector<1000x128xf32>
      %swap3A = arith.constant 0 : index
      %swap3A_43 = arith.constant 0 : index
      %swap3A_44 = vector.load %arg10[%swap3A, %swap3A_43] : memref<1000x128xf32, #tpu.memory_space<vmem>>, vector<1000x128xf32>
      tpu.vector_store %arg10[%swap3A, %swap3A_43], %max3A_42 {strides = array<i32>} : memref<1000x128xf32, #tpu.memory_space<vmem>>, vector<1000x128xf32>,
    } else {
    }
    return
  }
  func.func @transform_0(%arg0: i32, %arg1: i32) -> (i32, i32) {
    %c0_i32 = arith.constant 0 : i32
    %c0_i32_0 = arith.constant 0 : i32
    return %arg1, %c0_i32 : i32, i32
  }
  func.func @transform_1(%arg0: i32, %arg1: i32) -> (i32, i32, i32) {
    %c0_i32 = arith.constant 0 : i32
    %c0_i32_0 = arith.constant 0 : i32
    %c0_i32_1 = arith.constant 0 : i32
    return %c0_i32, %arg1, %c0_i32_0 : i32, i32, i32
  }
  func.func @transform_2(%arg0: i32, %arg1: i32) -> (i32, i32) {
    %c0_i32 = arith.constant 0 : i32
    %c0_i32_0 = arith.constant 0 : i32
    %c0_i32_1 = arith.constant 0 : i32
    return %c0_i32, %c0_i32_0 : i32, i32
  }
  func.func @transform_3(%arg0: i32, %arg1: i32) -> (i32, i32) {
    %c0_i32 = arith.constant 0 : i32
    %c0_i32_0 = arith.constant 0 : i32
    %c0_i32_1 = arith.constant 0 : i32
    return %c0_i32, %c0_i32_0 : i32, i32
  }
  func.func @transform_4(%arg0: i32, %arg1: i32) -> (i32, i32) {
    %c0_i32 = arith.constant 0 : i32
    %c0_i32_0 = arith.constant 0 : i32
    %c0_i32_1 = arith.constant 0 : i32
    return %c0_i32, %c0_i32_0 : i32, i32
  }
  func.func @transform_5(%arg0: i32, %arg1: i32) -> (i32, i32) {
    %c0_i32 = arith.constant 0 : i32
    %c0_i32_0 = arith.constant 0 : i32
    %c0_i32_1 = arith.constant 0 : i32
    return %c0_i32, %c0_i32_0 : i32, i32
  }
  func.func @transform_6(%arg0: i32, %arg1: i32) -> (i32, i32) {
    %c0_i32 = arith.constant 0 : i32
    %c0_i32_0 = arith.constant 0 : i32
    %c0_i32_1 = arith.constant 0 : i32
    return %c0_i32, %c0_i32_0 : i32, i32
  }
  func.func @transform_7(%arg0: i32, %arg1: i32) -> (i32, i32) {
    %c0_i32 = arith.constant 0 : i32
    %c0_i32_0 = arith.constant 0 : i32
    %c0_i32_1 = arith.constant 0 : i32
    return %c0_i32, %c0_i32_0 : i32, i32
  }
  func.func @transform_8(%arg0: i32, %arg1: i32) -> (i32, i32) {
    %c0_i32 = arith.constant 0 : i32
    %c0_i32_0 = arith.constant 0 : i32
    return %arg1, %c0_i32 : i32, i32
  }
}

module attributes {stable_mosaic.version = 14 : i64} {
  func.func @_layer_body(%arg0: i32, %arg1: i32, %arg2: memref<1000x128xf32, #tpu.memory_space<vmem>>, %arg3: memref<2x1000x128xf32, #tpu.memory_space<vmem>>, %arg4: memref<128x256xf32, #tpu.memory_space<vmem>>, %arg5: memref<1x256xf32, #tpu.memory_space<vmem>>, %arg6: memref<256x128xf32, #tpu.memory_space<vmem>>, %arg7: memref<1x128xf32, #tpu.memory_space<vmem>>, %arg8: memref<1x128xf32, #tpu.memory_space<vmem>>, %arg9: memref<1x128xf32, #tpu.memory_space<vmem>>, %arg10: memref<1000x128xf32, #tpu.memory_space<vmem>>, %arg11: memref<10000x128xf32, #tpu.memory_space<vmem>>, %arg12: memref<8x128xf32, #tpu.memory_space<vmem>>) attributes {dimension_semantics = [#tpu.dimension_semantics<arbitrary>, #tpu.dimension_semantics<arbitrary>], iteration_bounds = array<i64: 2, 10>, scalar_prefetch = 0 : i64, scratch_operands = 2 : i64, tpu.core_type = #tpu.core_type<tc>, window_params = [{transform_indices = @transform_0, window_bounds = array<i64: 1000, 128>}, {transform_indices = @transform_1, window_bounds = array<i64: 2, 1000, 128>}, {pipeline_mode = #tpu.pipeline_mode<synchronous>, transform_indices = @transform_2, window_bounds = array<i64: 128, 256>}, {pipeline_mode = #tpu.pipeline_mode<synchronous>, transform_indices = @transform_3, window_bounds = array<i64: 1, 256>}, {pipeline_mode = #tpu.pipeline_mode<synchronous>, transform_indices = @transform_4, window_bounds = array<i64: 256, 128>}, {pipeline_mode = #tpu.pipeline_mode<synchronous>, transform_indices = @transform_5, window_bounds = array<i64: 1, 128>}, {pipeline_mode = #tpu.pipeline_mode<synchronous>, transform_indices = @transform_6, window_bounds = array<i64: 1, 128>}, {pipeline_mode = #tpu.pipeline_mode<synchronous>, transform_indices = @transform_7, window_bounds = array<i64: 1, 128>}, {transform_indices = @transform_8, window_bounds = array<i64: 1000, 128>}]} {
    %eq3A = arith.constant 0 : i32
    %eq3A_0 = arith.cmpi eq, %arg0, %eq3A : i32
    %convert_element_type3A = arith.extui %eq3A_0 : i1 to i32
    %cond3A = arith.constant 0 : i32
    %cond3A_1 = arith.cmpi ne, %convert_element_type3A, %cond3A : i32
    scf.if %cond3A_1 {
      %eq3A_7 = arith.constant 0 : i32
      %eq3A_8 = arith.cmpi eq, %arg1, %eq3A_7 : i32
      %convert_element_type3A_9 = arith.extui %eq3A_8 : i1 to i32
      %cond3A_10 = arith.constant 0 : i32
      %cond3A_11 = arith.cmpi ne, %convert_element_type3A_9, %cond3A_10 : i32
      scf.if %cond3A_11 {
        %broadcast_in_dim3A_68 = arith.constant 0.000000e+00 : f32
        %broadcast_in_dim3A_69 = vector.broadcast %broadcast_in_dim3A_68 : f32 to vector<8x128xf32>
        %swap3A_70 = arith.constant 0 : index
        %swap3A_71 = arith.constant 0 : index
        %swap3A_72 = vector.load %arg12[%swap3A_70, %swap3A_71] : memref<8x128xf32, #tpu.memory_space<vmem>>, vector<8x128xf32>
        tpu.vector_store %arg12[%swap3A_70, %swap3A_71], %broadcast_in_dim3A_69 {strides = array<i32>} : memref<8x128xf32, #tpu.memory_space<vmem>>, vector<8x128xf32>,
      } else {
      }
      %get3A = arith.constant 0 : index
      %get3A_12 = arith.constant 0 : index
      %get3A_13 = vector.load %arg2[%get3A, %get3A_12] : memref<1000x128xf32, #tpu.memory_space<vmem>>, vector<1000x128xf32>
      %get3A_14 = arith.constant 0 : index
      %get3A_15 = arith.constant 0 : index
      %get3A_16 = arith.constant 0 : index
      %get3A_17 = vector.load %arg3[%get3A_14, %get3A_15, %get3A_16] : memref<2x1000x128xf32, #tpu.memory_space<vmem>>, vector<1x1000x128xf32>
      %get3A_18 = vector.shape_cast %get3A_17 : vector<1x1000x128xf32> to vector<1000x128xf32>
      %add3A = arith.addf %get3A_13, %get3A_18 : vector<1000x128xf32>
      %get3A_19 = arith.constant 1 : index
      %get3A_20 = arith.constant 0 : index
      %get3A_21 = arith.constant 0 : index
      %get3A_22 = vector.load %arg3[%get3A_19, %get3A_20, %get3A_21] : memref<2x1000x128xf32, #tpu.memory_space<vmem>>, vector<1x1000x128xf32>
      %get3A_23 = vector.shape_cast %get3A_22 : vector<1x1000x128xf32> to vector<1000x128xf32>
      %add3A_24 = arith.addf %add3A, %get3A_23 : vector<1000x128xf32>
      %get3A_25 = arith.constant 0 : index
      %get3A_26 = arith.constant 0 : index
      %get3A_27 = vector.load %arg4[%get3A_25, %get3A_26] : memref<128x256xf32, #tpu.memory_space<vmem>>, vector<128x256xf32>
      %dot_general3A = arith.constant dense<0.000000e+00> : vector<1000x256xf32>
      %dot_general3A_28 = tpu.matmul %add3A_24, %get3A_27, %dot_general3A {dimension_numbers = #tpu.dot_dimension_numbers<[1], [0], [0], [1], [0, 0, 1, 1], [], []>, transpose_lhs_hint = false} : vector<1000x128xf32>, vector<128x256xf32>, vector<1000x256xf32> -> vector<1000x256xf32>
      %get3A_29 = arith.constant 0 : index
      %get3A_30 = arith.constant 0 : index
      %get3A_31 = vector.load %arg5[%get3A_29, %get3A_30] : memref<1x256xf32, #tpu.memory_space<vmem>>, vector<1x256xf32>
      %add3A_32 = vector.broadcast %get3A_31 : vector<1x256xf32> to vector<1000x256xf32>
      %add3A_33 = arith.addf %dot_general3A_28, %add3A_32 : vector<1000x256xf32>
      %max3A = arith.constant 0.000000e+00 : f32
      %max3A_34 = vector.broadcast %max3A : f32 to vector<1000x256xf32>
      %max3A_35 = arith.maximumf %add3A_33, %max3A_34 : vector<1000x256xf32>
      %get3A_36 = arith.constant 0 : index
      %get3A_37 = arith.constant 0 : index
      %get3A_38 = vector.load %arg6[%get3A_36, %get3A_37] : memref<256x128xf32, #tpu.memory_space<vmem>>, vector<256x128xf32>
      %dot_general3A_39 = arith.constant dense<0.000000e+00> : vector<1000x128xf32>
      %dot_general3A_40 = tpu.matmul %max3A_35, %get3A_38, %dot_general3A_39 {dimension_numbers = #tpu.dot_dimension_numbers<[1], [0], [0], [1], [0, 0, 1, 1], [], []>, transpose_lhs_hint = false} : vector<1000x256xf32>, vector<256x128xf32>, vector<1000x128xf32> -> vector<1000x128xf32>
      %get3A_41 = arith.constant 0 : index
      %get3A_42 = arith.constant 0 : index
      %get3A_43 = vector.load %arg7[%get3A_41, %get3A_42] : memref<1x128xf32, #tpu.memory_space<vmem>>, vector<1x128xf32>
      %add3A_44 = vector.broadcast %get3A_43 : vector<1x128xf32> to vector<1000x128xf32>
      %add3A_45 = arith.addf %dot_general3A_40, %add3A_44 : vector<1000x128xf32>
      %mul3A = arith.constant 1000 : i32
      %mul3A_46 = arith.muli %arg1, %mul3A : i32
      %swap3A = arith.index_cast %mul3A_46 : i32 to index
      %swap3A_47 = arith.constant 0 : index
      %swap3A_48 = vector.load %arg11[%swap3A, %swap3A_47] : memref<10000x128xf32, #tpu.memory_space<vmem>>, vector<1000x128xf32>
      tpu.vector_store %arg11[%swap3A, %swap3A_47], %add3A_45 {strides = array<i32>} : memref<10000x128xf32, #tpu.memory_space<vmem>>, vector<1000x128xf32>,
      %get3A_49 = arith.constant 0 : index
      %get3A_50 = arith.constant 0 : index
      %get3A_51 = vector.load %arg12[%get3A_49, %get3A_50] : memref<8x128xf32, #tpu.memory_space<vmem>>, vector<1x128xf32>
      %reduce_sum3A = arith.constant dense<0.000000e+00> : vector<128xf32>
      %reduce_sum3A_52 = vector.multi_reduction <add>, %add3A_45, %reduce_sum3A [0] : vector<1000x128xf32> to vector<128xf32>
      %broadcast_in_dim3A = vector.shape_cast %reduce_sum3A_52 : vector<128xf32> to vector<1x128xf32>
      %add3A_53 = arith.addf %get3A_51, %broadcast_in_dim3A : vector<1x128xf32>
      %swap3A_54 = arith.constant 0 : index
      %swap3A_55 = arith.constant 0 : index
      %swap3A_56 = vector.load %arg12[%swap3A_54, %swap3A_55] : memref<8x128xf32, #tpu.memory_space<vmem>>, vector<1x128xf32>
      tpu.vector_store %arg12[%swap3A_54, %swap3A_55], %add3A_53 {strides = array<i32>} : memref<8x128xf32, #tpu.memory_space<vmem>>, vector<1x128xf32>,
      %get3A_57 = arith.constant 1 : index
      %get3A_58 = arith.constant 0 : index
      %get3A_59 = vector.load %arg12[%get3A_57, %get3A_58] : memref<8x128xf32, #tpu.memory_space<vmem>>, vector<1x128xf32>
      %mul3A_60 = arith.mulf %add3A_45, %add3A_45 : vector<1000x128xf32>
      %reduce_sum3A_61 = arith.constant dense<0.000000e+00> : vector<128xf32>
      %reduce_sum3A_62 = vector.multi_reduction <add>, %mul3A_60, %reduce_sum3A_61 [0] : vector<1000x128xf32> to vector<128xf32>
      %broadcast_in_dim3A_63 = vector.shape_cast %reduce_sum3A_62 : vector<128xf32> to vector<1x128xf32>
      %add3A_64 = arith.addf %get3A_59, %broadcast_in_dim3A_63 : vector<1x128xf32>
      %swap3A_65 = arith.constant 1 : index
      %swap3A_66 = arith.constant 0 : index
      %swap3A_67 = vector.load %arg12[%swap3A_65, %swap3A_66] : memref<8x128xf32, #tpu.memory_space<vmem>>, vector<1x128xf32>
      tpu.vector_store %arg12[%swap3A_65, %swap3A_66], %add3A_64 {strides = array<i32>} : memref<8x128xf32, #tpu.memory_space<vmem>>, vector<1x128xf32>,
    } else {
    }
    %eq3A_2 = arith.constant 1 : i32
    %eq3A_3 = arith.cmpi eq, %arg0, %eq3A_2 : i32
    %convert_element_type3A_4 = arith.extui %eq3A_3 : i1 to i32
    %cond3A_5 = arith.constant 0 : i32
    %cond3A_6 = arith.cmpi ne, %convert_element_type3A_4, %cond3A_5 : i32
    scf.if %cond3A_6 {
      %get3A = arith.constant 0 : index
      %get3A_7 = arith.constant 0 : index
      %get3A_8 = vector.load %arg12[%get3A, %get3A_7] : memref<8x128xf32, #tpu.memory_space<vmem>>, vector<1x128xf32>
      %div3A = arith.constant 1.000000e+04 : f32
      %div3A_9 = vector.broadcast %div3A : f32 to vector<1x128xf32>
      %div3A_10 = arith.divf %get3A_8, %div3A_9 : vector<1x128xf32>
      %get3A_11 = arith.constant 1 : index
      %get3A_12 = arith.constant 0 : index
      %get3A_13 = vector.load %arg12[%get3A_11, %get3A_12] : memref<8x128xf32, #tpu.memory_space<vmem>>, vector<1x128xf32>
      %div3A_14 = arith.constant 1.000000e+04 : f32
      %div3A_15 = vector.broadcast %div3A_14 : f32 to vector<1x128xf32>
      %div3A_16 = arith.divf %get3A_13, %div3A_15 : vector<1x128xf32>
      %mul3A = arith.mulf %div3A_10, %div3A_10 : vector<1x128xf32>
      %sub3A = arith.subf %div3A_16, %mul3A : vector<1x128xf32>
      %add3A = arith.constant 9.99999974E-6 : f32
      %add3A_17 = vector.broadcast %add3A : f32 to vector<1x128xf32>
      %add3A_18 = arith.addf %sub3A, %add3A_17 : vector<1x128xf32>
      %sqrt3A = math.sqrt %add3A_18 : vector<1x128xf32>
      %div3A_19 = arith.constant 1.000000e+00 : f32
      %div3A_20 = vector.broadcast %div3A_19 : f32 to vector<1x128xf32>
      %div3A_21 = arith.divf %div3A_20, %sqrt3A : vector<1x128xf32>
      %mul3A_22 = arith.constant 1000 : i32
      %mul3A_23 = arith.muli %arg1, %mul3A_22 : i32
      %get3A_24 = arith.index_cast %mul3A_23 : i32 to index
      %get3A_25 = arith.constant 0 : index
      %get3A_26 = vector.load %arg11[%get3A_24, %get3A_25] : memref<10000x128xf32, #tpu.memory_space<vmem>>, vector<1000x128xf32>
      %sub3A_27 = vector.broadcast %div3A_10 : vector<1x128xf32> to vector<1000x128xf32>
      %sub3A_28 = arith.subf %get3A_26, %sub3A_27 : vector<1000x128xf32>
      %mul3A_29 = vector.broadcast %div3A_21 : vector<1x128xf32> to vector<1000x128xf32>
      %mul3A_30 = arith.mulf %sub3A_28, %mul3A_29 : vector<1000x128xf32>
      %get3A_31 = arith.constant 0 : index
      %get3A_32 = arith.constant 0 : index
      %get3A_33 = vector.load %arg8[%get3A_31, %get3A_32] : memref<1x128xf32, #tpu.memory_space<vmem>>, vector<1x128xf32>
      %mul3A_34 = vector.broadcast %get3A_33 : vector<1x128xf32> to vector<1000x128xf32>
      %mul3A_35 = arith.mulf %mul3A_30, %mul3A_34 : vector<1000x128xf32>
      %get3A_36 = arith.constant 0 : index
      %get3A_37 = arith.constant 0 : index
      %get3A_38 = vector.load %arg9[%get3A_36, %get3A_37] : memref<1x128xf32, #tpu.memory_space<vmem>>, vector<1x128xf32>
      %add3A_39 = vector.broadcast %get3A_38 : vector<1x128xf32> to vector<1000x128xf32>
      %add3A_40 = arith.addf %mul3A_35, %add3A_39 : vector<1000x128xf32>
      %max3A = arith.constant 0.000000e+00 : f32
      %max3A_41 = vector.broadcast %max3A : f32 to vector<1000x128xf32>
      %max3A_42 = arith.maximumf %add3A_40, %max3A_41 : vector<1000x128xf32>
      %get3A_43 = arith.constant 0 : index
      %get3A_44 = arith.constant 0 : index
      %get3A_45 = vector.load %arg2[%get3A_43, %get3A_44] : memref<1000x128xf32, #tpu.memory_space<vmem>>, vector<1000x128xf32>
      %add3A_46 = arith.addf %max3A_42, %get3A_45 : vector<1000x128xf32>
      %swap3A = arith.constant 0 : index
      %swap3A_47 = arith.constant 0 : index
      %swap3A_48 = vector.load %arg10[%swap3A, %swap3A_47] : memref<1000x128xf32, #tpu.memory_space<vmem>>, vector<1000x128xf32>
      tpu.vector_store %arg10[%swap3A, %swap3A_47], %add3A_46 {strides = array<i32>} : memref<1000x128xf32, #tpu.memory_space<vmem>>, vector<1000x128xf32>,
    } else {
    }
    return
  }
  func.func @transform_0(%arg0: i32, %arg1: i32) -> (i32, i32) {
    %c0_i32 = arith.constant 0 : i32
    %c0_i32_0 = arith.constant 0 : i32
    return %arg1, %c0_i32 : i32, i32
  }
  func.func @transform_1(%arg0: i32, %arg1: i32) -> (i32, i32, i32) {
    %c0_i32 = arith.constant 0 : i32
    %c0_i32_0 = arith.constant 0 : i32
    %c0_i32_1 = arith.constant 0 : i32
    return %c0_i32, %arg1, %c0_i32_0 : i32, i32, i32
  }
  func.func @transform_2(%arg0: i32, %arg1: i32) -> (i32, i32) {
    %c0_i32 = arith.constant 0 : i32
    %c0_i32_0 = arith.constant 0 : i32
    %c0_i32_1 = arith.constant 0 : i32
    return %c0_i32, %c0_i32_0 : i32, i32
  }
  func.func @transform_3(%arg0: i32, %arg1: i32) -> (i32, i32) {
    %c0_i32 = arith.constant 0 : i32
    %c0_i32_0 = arith.constant 0 : i32
    %c0_i32_1 = arith.constant 0 : i32
    return %c0_i32, %c0_i32_0 : i32, i32
  }
  func.func @transform_4(%arg0: i32, %arg1: i32) -> (i32, i32) {
    %c0_i32 = arith.constant 0 : i32
    %c0_i32_0 = arith.constant 0 : i32
    %c0_i32_1 = arith.constant 0 : i32
    return %c0_i32, %c0_i32_0 : i32, i32
  }
  func.func @transform_5(%arg0: i32, %arg1: i32) -> (i32, i32) {
    %c0_i32 = arith.constant 0 : i32
    %c0_i32_0 = arith.constant 0 : i32
    %c0_i32_1 = arith.constant 0 : i32
    return %c0_i32, %c0_i32_0 : i32, i32
  }
  func.func @transform_6(%arg0: i32, %arg1: i32) -> (i32, i32) {
    %c0_i32 = arith.constant 0 : i32
    %c0_i32_0 = arith.constant 0 : i32
    %c0_i32_1 = arith.constant 0 : i32
    return %c0_i32, %c0_i32_0 : i32, i32
  }
  func.func @transform_7(%arg0: i32, %arg1: i32) -> (i32, i32) {
    %c0_i32 = arith.constant 0 : i32
    %c0_i32_0 = arith.constant 0 : i32
    %c0_i32_1 = arith.constant 0 : i32
    return %c0_i32, %c0_i32_0 : i32, i32
  }
  func.func @transform_8(%arg0: i32, %arg1: i32) -> (i32, i32) {
    %c0_i32 = arith.constant 0 : i32
    %c0_i32_0 = arith.constant 0 : i32
    return %arg1, %c0_i32 : i32, i32
  }
}

module attributes {stable_mosaic.version = 14 : i64} {
  func.func @_pool_body(%arg0: i32, %arg1: memref<1000x128xf32, #tpu.memory_space<vmem>>, %arg2: memref<1x1x1000xi32, #tpu.memory_space<vmem>>, %arg3: memref<1x1000x1xi32, #tpu.memory_space<vmem>>, %arg4: memref<16x384xf32, #tpu.memory_space<vmem>>, %arg5: memref<16x128xf32, #tpu.memory_space<vmem>>, %arg6: memref<16x128xf32, #tpu.memory_space<vmem>>, %arg7: memref<16x128xf32, #tpu.memory_space<vmem>>) attributes {dimension_semantics = [#tpu.dimension_semantics<arbitrary>], iteration_bounds = array<i64: 10>, scalar_prefetch = 0 : i64, scratch_operands = 3 : i64, tpu.core_type = #tpu.core_type<tc>, window_params = [{transform_indices = @transform_0, window_bounds = array<i64: 1000, 128>}, {transform_indices = @transform_1, window_bounds = array<i64: 1, 1, 1000>}, {transform_indices = @transform_2, window_bounds = array<i64: 1, 1000, 1>}, {pipeline_mode = #tpu.pipeline_mode<synchronous>, transform_indices = @transform_3, window_bounds = array<i64: 16, 384>}]} {
    %eq3A = arith.constant 0 : i32
    %eq3A_0 = arith.cmpi eq, %arg0, %eq3A : i32
    %convert_element_type3A = arith.extui %eq3A_0 : i1 to i32
    %cond3A = arith.constant 0 : i32
    %cond3A_1 = arith.cmpi ne, %convert_element_type3A, %cond3A : i32
    scf.if %cond3A_1 {
      %broadcast_in_dim3A_336 = arith.constant 0.000000e+00 : f32
      %broadcast_in_dim3A_337 = vector.broadcast %broadcast_in_dim3A_336 : f32 to vector<16x128xf32>
      %swap3A_338 = arith.constant 0 : index
      %swap3A_339 = arith.constant 0 : index
      %swap3A_340 = vector.load %arg5[%swap3A_338, %swap3A_339] : memref<16x128xf32, #tpu.memory_space<vmem>>, vector<16x128xf32>
      tpu.vector_store %arg5[%swap3A_338, %swap3A_339], %broadcast_in_dim3A_337 {strides = array<i32>} : memref<16x128xf32, #tpu.memory_space<vmem>>, vector<16x128xf32>,
      %broadcast_in_dim3A_341 = arith.constant 0.000000e+00 : f32
      %broadcast_in_dim3A_342 = vector.broadcast %broadcast_in_dim3A_341 : f32 to vector<16x128xf32>
      %swap3A_343 = arith.constant 0 : index
      %swap3A_344 = arith.constant 0 : index
      %swap3A_345 = vector.load %arg7[%swap3A_343, %swap3A_344] : memref<16x128xf32, #tpu.memory_space<vmem>>, vector<16x128xf32>
      tpu.vector_store %arg7[%swap3A_343, %swap3A_344], %broadcast_in_dim3A_342 {strides = array<i32>} : memref<16x128xf32, #tpu.memory_space<vmem>>, vector<16x128xf32>,
      %broadcast_in_dim3A_346 = arith.constant 0xFF800000 : f32
      %broadcast_in_dim3A_347 = vector.broadcast %broadcast_in_dim3A_346 : f32 to vector<16x128xf32>
      %swap3A_348 = arith.constant 0 : index
      %swap3A_349 = arith.constant 0 : index
      %swap3A_350 = vector.load %arg6[%swap3A_348, %swap3A_349] : memref<16x128xf32, #tpu.memory_space<vmem>>, vector<16x128xf32>
      tpu.vector_store %arg6[%swap3A_348, %swap3A_349], %broadcast_in_dim3A_347 {strides = array<i32>} : memref<16x128xf32, #tpu.memory_space<vmem>>, vector<16x128xf32>,
    } else {
    }
    %get3A = arith.constant 0 : index
    %get3A_2 = arith.constant 0 : index
    %get3A_3 = arith.constant 0 : index
    %get3A_4 = vector.load %arg2[%get3A, %get3A_2, %get3A_3] : memref<1x1x1000xi32, #tpu.memory_space<vmem>>, vector<1x1x1000xi32>
    %get3A_5 = vector.shape_cast %get3A_4 : vector<1x1x1000xi32> to vector<1x1000xi32>
    %get3A_6 = arith.constant 0 : index
    %get3A_7 = arith.constant 0 : index
    %get3A_8 = arith.constant 0 : index
    %get3A_9 = vector.load %arg3[%get3A_6, %get3A_7, %get3A_8] : memref<1x1000x1xi32, #tpu.memory_space<vmem>>, vector<1x1000x1xi32>
    %get3A_10 = vector.shape_cast %get3A_9 : vector<1x1000x1xi32> to vector<1000x1xi32>
    %get3A_11 = arith.constant 0 : index
    %get3A_12 = arith.constant 0 : index
    %get3A_13 = vector.load %arg1[%get3A_11, %get3A_12] : memref<1000x128xf32, #tpu.memory_space<vmem>>, vector<1000x128xf32>
    %iota3A = tpu.iota {dimensions = array<i32: 0>} : vector<16x1000xi32>
    %eq3A_14 = vector.broadcast %get3A_5 : vector<1x1000xi32> to vector<16x1000xi32>
    %eq3A_15 = arith.cmpi eq, %iota3A, %eq3A_14 : vector<16x1000xi32>
    %convert_element_type3A_16 = arith.extui %eq3A_15 : vector<16x1000xi1> to vector<16x1000xi32>
    %convert_element_type3A_17 = arith.sitofp %convert_element_type3A_16 : vector<16x1000xi32> to vector<16x1000xf32>
    %get3A_18 = arith.constant 0 : index
    %get3A_19 = arith.constant 0 : index
    %get3A_20 = vector.load %arg5[%get3A_18, %get3A_19] : memref<16x128xf32, #tpu.memory_space<vmem>>, vector<16x128xf32>
    %dot_general3A = arith.constant dense<0.000000e+00> : vector<16x128xf32>
    %dot_general3A_21 = tpu.matmul %convert_element_type3A_17, %get3A_13, %dot_general3A {dimension_numbers = #tpu.dot_dimension_numbers<[1], [0], [0], [1], [0, 0, 1, 1], [], []>, transpose_lhs_hint = false} : vector<16x1000xf32>, vector<1000x128xf32>, vector<16x128xf32> -> vector<16x128xf32>
    %add3A = arith.addf %get3A_20, %dot_general3A_21 : vector<16x128xf32>
    %swap3A = arith.constant 0 : index
    %swap3A_22 = arith.constant 0 : index
    %swap3A_23 = vector.load %arg5[%swap3A, %swap3A_22] : memref<16x128xf32, #tpu.memory_space<vmem>>, vector<16x128xf32>
    tpu.vector_store %arg5[%swap3A, %swap3A_22], %add3A {strides = array<i32>} : memref<16x128xf32, #tpu.memory_space<vmem>>, vector<16x128xf32>,
    %get3A_24 = arith.constant 0 : index
    %get3A_25 = arith.constant 0 : index
    %get3A_26 = vector.load %arg7[%get3A_24, %get3A_25] : memref<16x128xf32, #tpu.memory_space<vmem>>, vector<16x128xf32>
    %reduce_sum3A = arith.constant dense<0.000000e+00> : vector<16xf32>
    %reduce_sum3A_27 = vector.multi_reduction <add>, %convert_element_type3A_17, %reduce_sum3A [1] : vector<16x1000xf32> to vector<16xf32>
    %broadcast_in_dim3A = vector.shape_cast %reduce_sum3A_27 : vector<16xf32> to vector<16x1xf32>
    %broadcast_in_dim3A_28 = vector.shape_cast %broadcast_in_dim3A : vector<16x1xf32> to vector<16x1xf32>
    %broadcast_in_dim3A_29 = vector.broadcast %broadcast_in_dim3A_28 : vector<16x1xf32> to vector<16x128xf32>
    %add3A_30 = arith.addf %get3A_26, %broadcast_in_dim3A_29 : vector<16x128xf32>
    %swap3A_31 = arith.constant 0 : index
    %swap3A_32 = arith.constant 0 : index
    %swap3A_33 = vector.load %arg7[%swap3A_31, %swap3A_32] : memref<16x128xf32, #tpu.memory_space<vmem>>, vector<16x128xf32>
    tpu.vector_store %arg7[%swap3A_31, %swap3A_32], %add3A_30 {strides = array<i32>} : memref<16x128xf32, #tpu.memory_space<vmem>>, vector<16x128xf32>,
    %eq3A_34 = arith.constant 0 : i32
    %eq3A_35 = vector.broadcast %eq3A_34 : i32 to vector<1000x1xi32>
    %eq3A_36 = arith.cmpi eq, %get3A_10, %eq3A_35 : vector<1000x1xi32>
    %jit3A = arith.constant 0xFF800000 : f32
    %broadcast_in_dim3A_37 = vector.shape_cast %eq3A_36 : vector<1000x1xi1> to vector<1000x1xi1>
    %broadcast_in_dim3A_38 = vector.broadcast %broadcast_in_dim3A_37 : vector<1000x1xi1> to vector<1000x128xi1>
    %broadcast_in_dim3A_39 = vector.broadcast %jit3A : f32 to vector<1000x128xf32>
    %select_n3A = arith.select %broadcast_in_dim3A_38, %get3A_13, %broadcast_in_dim3A_39 : vector<1000x128xi1>, vector<1000x128xf32>
    %reduce_max3A = arith.constant dense<0xFF800000> : vector<128xf32>
    %reduce_max3A_40 = vector.multi_reduction <maximumf>, %select_n3A, %reduce_max3A [0] : vector<1000x128xf32> to vector<128xf32>
    %broadcast_in_dim3A_41 = vector.shape_cast %reduce_max3A_40 : vector<128xf32> to vector<1x128xf32>
    %get3A_42 = arith.constant 0 : index
    %get3A_43 = arith.constant 0 : index
    %get3A_44 = vector.load %arg6[%get3A_42, %get3A_43] : memref<16x128xf32, #tpu.memory_space<vmem>>, vector<1x128xf32>
    %max3A = arith.maximumf %get3A_44, %broadcast_in_dim3A_41 : vector<1x128xf32>
    %swap3A_45 = arith.constant 0 : index
    %swap3A_46 = arith.constant 0 : index
    %swap3A_47 = vector.load %arg6[%swap3A_45, %swap3A_46] : memref<16x128xf32, #tpu.memory_space<vmem>>, vector<1x128xf32>
    tpu.vector_store %arg6[%swap3A_45, %swap3A_46], %max3A {strides = array<i32>} : memref<16x128xf32, #tpu.memory_space<vmem>>, vector<1x128xf32>,
    %eq3A_48 = arith.constant 1 : i32
    %eq3A_49 = vector.broadcast %eq3A_48 : i32 to vector<1000x1xi32>
    %eq3A_50 = arith.cmpi eq, %get3A_10, %eq3A_49 : vector<1000x1xi32>
    %jit3A_51 = arith.constant 0xFF800000 : f32
    %broadcast_in_dim3A_52 = vector.shape_cast %eq3A_50 : vector<1000x1xi1> to vector<1000x1xi1>
    %broadcast_in_dim3A_53 = vector.broadcast %broadcast_in_dim3A_52 : vector<1000x1xi1> to vector<1000x128xi1>
    %broadcast_in_dim3A_54 = vector.broadcast %jit3A_51 : f32 to vector<1000x128xf32>
    %select_n3A_55 = arith.select %broadcast_in_dim3A_53, %get3A_13, %broadcast_in_dim3A_54 : vector<1000x128xi1>, vector<1000x128xf32>
    %reduce_max3A_56 = arith.constant dense<0xFF800000> : vector<128xf32>
    %reduce_max3A_57 = vector.multi_reduction <maximumf>, %select_n3A_55, %reduce_max3A_56 [0] : vector<1000x128xf32> to vector<128xf32>
    %broadcast_in_dim3A_58 = vector.shape_cast %reduce_max3A_57 : vector<128xf32> to vector<1x128xf32>
    %get3A_59 = arith.constant 1 : index
    %get3A_60 = arith.constant 0 : index
    %get3A_61 = vector.load %arg6[%get3A_59, %get3A_60] : memref<16x128xf32, #tpu.memory_space<vmem>>, vector<1x128xf32>
    %max3A_62 = arith.maximumf %get3A_61, %broadcast_in_dim3A_58 : vector<1x128xf32>
    %swap3A_63 = arith.constant 1 : index
    %swap3A_64 = arith.constant 0 : index
    %swap3A_65 = vector.load %arg6[%swap3A_63, %swap3A_64] : memref<16x128xf32, #tpu.memory_space<vmem>>, vector<1x128xf32>
    tpu.vector_store %arg6[%swap3A_63, %swap3A_64], %max3A_62 {strides = array<i32>} : memref<16x128xf32, #tpu.memory_space<vmem>>, vector<1x128xf32>,
    %eq3A_66 = arith.constant 2 : i32
    %eq3A_67 = vector.broadcast %eq3A_66 : i32 to vector<1000x1xi32>
    %eq3A_68 = arith.cmpi eq, %get3A_10, %eq3A_67 : vector<1000x1xi32>
    %jit3A_69 = arith.constant 0xFF800000 : f32
    %broadcast_in_dim3A_70 = vector.shape_cast %eq3A_68 : vector<1000x1xi1> to vector<1000x1xi1>
    %broadcast_in_dim3A_71 = vector.broadcast %broadcast_in_dim3A_70 : vector<1000x1xi1> to vector<1000x128xi1>
    %broadcast_in_dim3A_72 = vector.broadcast %jit3A_69 : f32 to vector<1000x128xf32>
    %select_n3A_73 = arith.select %broadcast_in_dim3A_71, %get3A_13, %broadcast_in_dim3A_72 : vector<1000x128xi1>, vector<1000x128xf32>
    %reduce_max3A_74 = arith.constant dense<0xFF800000> : vector<128xf32>
    %reduce_max3A_75 = vector.multi_reduction <maximumf>, %select_n3A_73, %reduce_max3A_74 [0] : vector<1000x128xf32> to vector<128xf32>
    %broadcast_in_dim3A_76 = vector.shape_cast %reduce_max3A_75 : vector<128xf32> to vector<1x128xf32>
    %get3A_77 = arith.constant 2 : index
    %get3A_78 = arith.constant 0 : index
    %get3A_79 = vector.load %arg6[%get3A_77, %get3A_78] : memref<16x128xf32, #tpu.memory_space<vmem>>, vector<1x128xf32>
    %max3A_80 = arith.maximumf %get3A_79, %broadcast_in_dim3A_76 : vector<1x128xf32>
    %swap3A_81 = arith.constant 2 : index
    %swap3A_82 = arith.constant 0 : index
    %swap3A_83 = vector.load %arg6[%swap3A_81, %swap3A_82] : memref<16x128xf32, #tpu.memory_space<vmem>>, vector<1x128xf32>
    tpu.vector_store %arg6[%swap3A_81, %swap3A_82], %max3A_80 {strides = array<i32>} : memref<16x128xf32, #tpu.memory_space<vmem>>, vector<1x128xf32>,
    %eq3A_84 = arith.constant 3 : i32
    %eq3A_85 = vector.broadcast %eq3A_84 : i32 to vector<1000x1xi32>
    %eq3A_86 = arith.cmpi eq, %get3A_10, %eq3A_85 : vector<1000x1xi32>
    %jit3A_87 = arith.constant 0xFF800000 : f32
    %broadcast_in_dim3A_88 = vector.shape_cast %eq3A_86 : vector<1000x1xi1> to vector<1000x1xi1>
    %broadcast_in_dim3A_89 = vector.broadcast %broadcast_in_dim3A_88 : vector<1000x1xi1> to vector<1000x128xi1>
    %broadcast_in_dim3A_90 = vector.broadcast %jit3A_87 : f32 to vector<1000x128xf32>
    %select_n3A_91 = arith.select %broadcast_in_dim3A_89, %get3A_13, %broadcast_in_dim3A_90 : vector<1000x128xi1>, vector<1000x128xf32>
    %reduce_max3A_92 = arith.constant dense<0xFF800000> : vector<128xf32>
    %reduce_max3A_93 = vector.multi_reduction <maximumf>, %select_n3A_91, %reduce_max3A_92 [0] : vector<1000x128xf32> to vector<128xf32>
    %broadcast_in_dim3A_94 = vector.shape_cast %reduce_max3A_93 : vector<128xf32> to vector<1x128xf32>
    %get3A_95 = arith.constant 3 : index
    %get3A_96 = arith.constant 0 : index
    %get3A_97 = vector.load %arg6[%get3A_95, %get3A_96] : memref<16x128xf32, #tpu.memory_space<vmem>>, vector<1x128xf32>
    %max3A_98 = arith.maximumf %get3A_97, %broadcast_in_dim3A_94 : vector<1x128xf32>
    %swap3A_99 = arith.constant 3 : index
    %swap3A_100 = arith.constant 0 : index
    %swap3A_101 = vector.load %arg6[%swap3A_99, %swap3A_100] : memref<16x128xf32, #tpu.memory_space<vmem>>, vector<1x128xf32>
    tpu.vector_store %arg6[%swap3A_99, %swap3A_100], %max3A_98 {strides = array<i32>} : memref<16x128xf32, #tpu.memory_space<vmem>>, vector<1x128xf32>,
    %eq3A_102 = arith.constant 4 : i32
    %eq3A_103 = vector.broadcast %eq3A_102 : i32 to vector<1000x1xi32>
    %eq3A_104 = arith.cmpi eq, %get3A_10, %eq3A_103 : vector<1000x1xi32>
    %jit3A_105 = arith.constant 0xFF800000 : f32
    %broadcast_in_dim3A_106 = vector.shape_cast %eq3A_104 : vector<1000x1xi1> to vector<1000x1xi1>
    %broadcast_in_dim3A_107 = vector.broadcast %broadcast_in_dim3A_106 : vector<1000x1xi1> to vector<1000x128xi1>
    %broadcast_in_dim3A_108 = vector.broadcast %jit3A_105 : f32 to vector<1000x128xf32>
    %select_n3A_109 = arith.select %broadcast_in_dim3A_107, %get3A_13, %broadcast_in_dim3A_108 : vector<1000x128xi1>, vector<1000x128xf32>
    %reduce_max3A_110 = arith.constant dense<0xFF800000> : vector<128xf32>
    %reduce_max3A_111 = vector.multi_reduction <maximumf>, %select_n3A_109, %reduce_max3A_110 [0] : vector<1000x128xf32> to vector<128xf32>
    %broadcast_in_dim3A_112 = vector.shape_cast %reduce_max3A_111 : vector<128xf32> to vector<1x128xf32>
    %get3A_113 = arith.constant 4 : index
    %get3A_114 = arith.constant 0 : index
    %get3A_115 = vector.load %arg6[%get3A_113, %get3A_114] : memref<16x128xf32, #tpu.memory_space<vmem>>, vector<1x128xf32>
    %max3A_116 = arith.maximumf %get3A_115, %broadcast_in_dim3A_112 : vector<1x128xf32>
    %swap3A_117 = arith.constant 4 : index
    %swap3A_118 = arith.constant 0 : index
    %swap3A_119 = vector.load %arg6[%swap3A_117, %swap3A_118] : memref<16x128xf32, #tpu.memory_space<vmem>>, vector<1x128xf32>
    tpu.vector_store %arg6[%swap3A_117, %swap3A_118], %max3A_116 {strides = array<i32>} : memref<16x128xf32, #tpu.memory_space<vmem>>, vector<1x128xf32>,
    %eq3A_120 = arith.constant 5 : i32
    %eq3A_121 = vector.broadcast %eq3A_120 : i32 to vector<1000x1xi32>
    %eq3A_122 = arith.cmpi eq, %get3A_10, %eq3A_121 : vector<1000x1xi32>
    %jit3A_123 = arith.constant 0xFF800000 : f32
    %broadcast_in_dim3A_124 = vector.shape_cast %eq3A_122 : vector<1000x1xi1> to vector<1000x1xi1>
    %broadcast_in_dim3A_125 = vector.broadcast %broadcast_in_dim3A_124 : vector<1000x1xi1> to vector<1000x128xi1>
    %broadcast_in_dim3A_126 = vector.broadcast %jit3A_123 : f32 to vector<1000x128xf32>
    %select_n3A_127 = arith.select %broadcast_in_dim3A_125, %get3A_13, %broadcast_in_dim3A_126 : vector<1000x128xi1>, vector<1000x128xf32>
    %reduce_max3A_128 = arith.constant dense<0xFF800000> : vector<128xf32>
    %reduce_max3A_129 = vector.multi_reduction <maximumf>, %select_n3A_127, %reduce_max3A_128 [0] : vector<1000x128xf32> to vector<128xf32>
    %broadcast_in_dim3A_130 = vector.shape_cast %reduce_max3A_129 : vector<128xf32> to vector<1x128xf32>
    %get3A_131 = arith.constant 5 : index
    %get3A_132 = arith.constant 0 : index
    %get3A_133 = vector.load %arg6[%get3A_131, %get3A_132] : memref<16x128xf32, #tpu.memory_space<vmem>>, vector<1x128xf32>
    %max3A_134 = arith.maximumf %get3A_133, %broadcast_in_dim3A_130 : vector<1x128xf32>
    %swap3A_135 = arith.constant 5 : index
    %swap3A_136 = arith.constant 0 : index
    %swap3A_137 = vector.load %arg6[%swap3A_135, %swap3A_136] : memref<16x128xf32, #tpu.memory_space<vmem>>, vector<1x128xf32>
    tpu.vector_store %arg6[%swap3A_135, %swap3A_136], %max3A_134 {strides = array<i32>} : memref<16x128xf32, #tpu.memory_space<vmem>>, vector<1x128xf32>,
    %eq3A_138 = arith.constant 6 : i32
    %eq3A_139 = vector.broadcast %eq3A_138 : i32 to vector<1000x1xi32>
    %eq3A_140 = arith.cmpi eq, %get3A_10, %eq3A_139 : vector<1000x1xi32>
    %jit3A_141 = arith.constant 0xFF800000 : f32
    %broadcast_in_dim3A_142 = vector.shape_cast %eq3A_140 : vector<1000x1xi1> to vector<1000x1xi1>
    %broadcast_in_dim3A_143 = vector.broadcast %broadcast_in_dim3A_142 : vector<1000x1xi1> to vector<1000x128xi1>
    %broadcast_in_dim3A_144 = vector.broadcast %jit3A_141 : f32 to vector<1000x128xf32>
    %select_n3A_145 = arith.select %broadcast_in_dim3A_143, %get3A_13, %broadcast_in_dim3A_144 : vector<1000x128xi1>, vector<1000x128xf32>
    %reduce_max3A_146 = arith.constant dense<0xFF800000> : vector<128xf32>
    %reduce_max3A_147 = vector.multi_reduction <maximumf>, %select_n3A_145, %reduce_max3A_146 [0] : vector<1000x128xf32> to vector<128xf32>
    %broadcast_in_dim3A_148 = vector.shape_cast %reduce_max3A_147 : vector<128xf32> to vector<1x128xf32>
    %get3A_149 = arith.constant 6 : index
    %get3A_150 = arith.constant 0 : index
    %get3A_151 = vector.load %arg6[%get3A_149, %get3A_150] : memref<16x128xf32, #tpu.memory_space<vmem>>, vector<1x128xf32>
    %max3A_152 = arith.maximumf %get3A_151, %broadcast_in_dim3A_148 : vector<1x128xf32>
    %swap3A_153 = arith.constant 6 : index
    %swap3A_154 = arith.constant 0 : index
    %swap3A_155 = vector.load %arg6[%swap3A_153, %swap3A_154] : memref<16x128xf32, #tpu.memory_space<vmem>>, vector<1x128xf32>
    tpu.vector_store %arg6[%swap3A_153, %swap3A_154], %max3A_152 {strides = array<i32>} : memref<16x128xf32, #tpu.memory_space<vmem>>, vector<1x128xf32>,
    %eq3A_156 = arith.constant 7 : i32
    %eq3A_157 = vector.broadcast %eq3A_156 : i32 to vector<1000x1xi32>
    %eq3A_158 = arith.cmpi eq, %get3A_10, %eq3A_157 : vector<1000x1xi32>
    %jit3A_159 = arith.constant 0xFF800000 : f32
    %broadcast_in_dim3A_160 = vector.shape_cast %eq3A_158 : vector<1000x1xi1> to vector<1000x1xi1>
    %broadcast_in_dim3A_161 = vector.broadcast %broadcast_in_dim3A_160 : vector<1000x1xi1> to vector<1000x128xi1>
    %broadcast_in_dim3A_162 = vector.broadcast %jit3A_159 : f32 to vector<1000x128xf32>
    %select_n3A_163 = arith.select %broadcast_in_dim3A_161, %get3A_13, %broadcast_in_dim3A_162 : vector<1000x128xi1>, vector<1000x128xf32>
    %reduce_max3A_164 = arith.constant dense<0xFF800000> : vector<128xf32>
    %reduce_max3A_165 = vector.multi_reduction <maximumf>, %select_n3A_163, %reduce_max3A_164 [0] : vector<1000x128xf32> to vector<128xf32>
    %broadcast_in_dim3A_166 = vector.shape_cast %reduce_max3A_165 : vector<128xf32> to vector<1x128xf32>
    %get3A_167 = arith.constant 7 : index
    %get3A_168 = arith.constant 0 : index
    %get3A_169 = vector.load %arg6[%get3A_167, %get3A_168] : memref<16x128xf32, #tpu.memory_space<vmem>>, vector<1x128xf32>
    %max3A_170 = arith.maximumf %get3A_169, %broadcast_in_dim3A_166 : vector<1x128xf32>
    %swap3A_171 = arith.constant 7 : index
    %swap3A_172 = arith.constant 0 : index
    %swap3A_173 = vector.load %arg6[%swap3A_171, %swap3A_172] : memref<16x128xf32, #tpu.memory_space<vmem>>, vector<1x128xf32>
    tpu.vector_store %arg6[%swap3A_171, %swap3A_172], %max3A_170 {strides = array<i32>} : memref<16x128xf32, #tpu.memory_space<vmem>>, vector<1x128xf32>,
    %eq3A_174 = arith.constant 8 : i32
    %eq3A_175 = vector.broadcast %eq3A_174 : i32 to vector<1000x1xi32>
    %eq3A_176 = arith.cmpi eq, %get3A_10, %eq3A_175 : vector<1000x1xi32>
    %jit3A_177 = arith.constant 0xFF800000 : f32
    %broadcast_in_dim3A_178 = vector.shape_cast %eq3A_176 : vector<1000x1xi1> to vector<1000x1xi1>
    %broadcast_in_dim3A_179 = vector.broadcast %broadcast_in_dim3A_178 : vector<1000x1xi1> to vector<1000x128xi1>
    %broadcast_in_dim3A_180 = vector.broadcast %jit3A_177 : f32 to vector<1000x128xf32>
    %select_n3A_181 = arith.select %broadcast_in_dim3A_179, %get3A_13, %broadcast_in_dim3A_180 : vector<1000x128xi1>, vector<1000x128xf32>
    %reduce_max3A_182 = arith.constant dense<0xFF800000> : vector<128xf32>
    %reduce_max3A_183 = vector.multi_reduction <maximumf>, %select_n3A_181, %reduce_max3A_182 [0] : vector<1000x128xf32> to vector<128xf32>
    %broadcast_in_dim3A_184 = vector.shape_cast %reduce_max3A_183 : vector<128xf32> to vector<1x128xf32>
    %get3A_185 = arith.constant 8 : index
    %get3A_186 = arith.constant 0 : index
    %get3A_187 = vector.load %arg6[%get3A_185, %get3A_186] : memref<16x128xf32, #tpu.memory_space<vmem>>, vector<1x128xf32>
    %max3A_188 = arith.maximumf %get3A_187, %broadcast_in_dim3A_184 : vector<1x128xf32>
    %swap3A_189 = arith.constant 8 : index
    %swap3A_190 = arith.constant 0 : index
    %swap3A_191 = vector.load %arg6[%swap3A_189, %swap3A_190] : memref<16x128xf32, #tpu.memory_space<vmem>>, vector<1x128xf32>
    tpu.vector_store %arg6[%swap3A_189, %swap3A_190], %max3A_188 {strides = array<i32>} : memref<16x128xf32, #tpu.memory_space<vmem>>, vector<1x128xf32>,
    %eq3A_192 = arith.constant 9 : i32
    %eq3A_193 = vector.broadcast %eq3A_192 : i32 to vector<1000x1xi32>
    %eq3A_194 = arith.cmpi eq, %get3A_10, %eq3A_193 : vector<1000x1xi32>
    %jit3A_195 = arith.constant 0xFF800000 : f32
    %broadcast_in_dim3A_196 = vector.shape_cast %eq3A_194 : vector<1000x1xi1> to vector<1000x1xi1>
    %broadcast_in_dim3A_197 = vector.broadcast %broadcast_in_dim3A_196 : vector<1000x1xi1> to vector<1000x128xi1>
    %broadcast_in_dim3A_198 = vector.broadcast %jit3A_195 : f32 to vector<1000x128xf32>
    %select_n3A_199 = arith.select %broadcast_in_dim3A_197, %get3A_13, %broadcast_in_dim3A_198 : vector<1000x128xi1>, vector<1000x128xf32>
    %reduce_max3A_200 = arith.constant dense<0xFF800000> : vector<128xf32>
    %reduce_max3A_201 = vector.multi_reduction <maximumf>, %select_n3A_199, %reduce_max3A_200 [0] : vector<1000x128xf32> to vector<128xf32>
    %broadcast_in_dim3A_202 = vector.shape_cast %reduce_max3A_201 : vector<128xf32> to vector<1x128xf32>
    %get3A_203 = arith.constant 9 : index
    %get3A_204 = arith.constant 0 : index
    %get3A_205 = vector.load %arg6[%get3A_203, %get3A_204] : memref<16x128xf32, #tpu.memory_space<vmem>>, vector<1x128xf32>
    %max3A_206 = arith.maximumf %get3A_205, %broadcast_in_dim3A_202 : vector<1x128xf32>
    %swap3A_207 = arith.constant 9 : index
    %swap3A_208 = arith.constant 0 : index
    %swap3A_209 = vector.load %arg6[%swap3A_207, %swap3A_208] : memref<16x128xf32, #tpu.memory_space<vmem>>, vector<1x128xf32>
    tpu.vector_store %arg6[%swap3A_207, %swap3A_208], %max3A_206 {strides = array<i32>} : memref<16x128xf32, #tpu.memory_space<vmem>>, vector<1x128xf32>,
    %eq3A_210 = arith.constant 10 : i32
    %eq3A_211 = vector.broadcast %eq3A_210 : i32 to vector<1000x1xi32>
    %eq3A_212 = arith.cmpi eq, %get3A_10, %eq3A_211 : vector<1000x1xi32>
    %jit3A_213 = arith.constant 0xFF800000 : f32
    %broadcast_in_dim3A_214 = vector.shape_cast %eq3A_212 : vector<1000x1xi1> to vector<1000x1xi1>
    %broadcast_in_dim3A_215 = vector.broadcast %broadcast_in_dim3A_214 : vector<1000x1xi1> to vector<1000x128xi1>
    %broadcast_in_dim3A_216 = vector.broadcast %jit3A_213 : f32 to vector<1000x128xf32>
    %select_n3A_217 = arith.select %broadcast_in_dim3A_215, %get3A_13, %broadcast_in_dim3A_216 : vector<1000x128xi1>, vector<1000x128xf32>
    %reduce_max3A_218 = arith.constant dense<0xFF800000> : vector<128xf32>
    %reduce_max3A_219 = vector.multi_reduction <maximumf>, %select_n3A_217, %reduce_max3A_218 [0] : vector<1000x128xf32> to vector<128xf32>
    %broadcast_in_dim3A_220 = vector.shape_cast %reduce_max3A_219 : vector<128xf32> to vector<1x128xf32>
    %get3A_221 = arith.constant 10 : index
    %get3A_222 = arith.constant 0 : index
    %get3A_223 = vector.load %arg6[%get3A_221, %get3A_222] : memref<16x128xf32, #tpu.memory_space<vmem>>, vector<1x128xf32>
    %max3A_224 = arith.maximumf %get3A_223, %broadcast_in_dim3A_220 : vector<1x128xf32>
    %swap3A_225 = arith.constant 10 : index
    %swap3A_226 = arith.constant 0 : index
    %swap3A_227 = vector.load %arg6[%swap3A_225, %swap3A_226] : memref<16x128xf32, #tpu.memory_space<vmem>>, vector<1x128xf32>
    tpu.vector_store %arg6[%swap3A_225, %swap3A_226], %max3A_224 {strides = array<i32>} : memref<16x128xf32, #tpu.memory_space<vmem>>, vector<1x128xf32>,
    %eq3A_228 = arith.constant 11 : i32
    %eq3A_229 = vector.broadcast %eq3A_228 : i32 to vector<1000x1xi32>
    %eq3A_230 = arith.cmpi eq, %get3A_10, %eq3A_229 : vector<1000x1xi32>
    %jit3A_231 = arith.constant 0xFF800000 : f32
    %broadcast_in_dim3A_232 = vector.shape_cast %eq3A_230 : vector<1000x1xi1> to vector<1000x1xi1>
    %broadcast_in_dim3A_233 = vector.broadcast %broadcast_in_dim3A_232 : vector<1000x1xi1> to vector<1000x128xi1>
    %broadcast_in_dim3A_234 = vector.broadcast %jit3A_231 : f32 to vector<1000x128xf32>
    %select_n3A_235 = arith.select %broadcast_in_dim3A_233, %get3A_13, %broadcast_in_dim3A_234 : vector<1000x128xi1>, vector<1000x128xf32>
    %reduce_max3A_236 = arith.constant dense<0xFF800000> : vector<128xf32>
    %reduce_max3A_237 = vector.multi_reduction <maximumf>, %select_n3A_235, %reduce_max3A_236 [0] : vector<1000x128xf32> to vector<128xf32>
    %broadcast_in_dim3A_238 = vector.shape_cast %reduce_max3A_237 : vector<128xf32> to vector<1x128xf32>
    %get3A_239 = arith.constant 11 : index
    %get3A_240 = arith.constant 0 : index
    %get3A_241 = vector.load %arg6[%get3A_239, %get3A_240] : memref<16x128xf32, #tpu.memory_space<vmem>>, vector<1x128xf32>
    %max3A_242 = arith.maximumf %get3A_241, %broadcast_in_dim3A_238 : vector<1x128xf32>
    %swap3A_243 = arith.constant 11 : index
    %swap3A_244 = arith.constant 0 : index
    %swap3A_245 = vector.load %arg6[%swap3A_243, %swap3A_244] : memref<16x128xf32, #tpu.memory_space<vmem>>, vector<1x128xf32>
    tpu.vector_store %arg6[%swap3A_243, %swap3A_244], %max3A_242 {strides = array<i32>} : memref<16x128xf32, #tpu.memory_space<vmem>>, vector<1x128xf32>,
    %eq3A_246 = arith.constant 12 : i32
    %eq3A_247 = vector.broadcast %eq3A_246 : i32 to vector<1000x1xi32>
    %eq3A_248 = arith.cmpi eq, %get3A_10, %eq3A_247 : vector<1000x1xi32>
    %jit3A_249 = arith.constant 0xFF800000 : f32
    %broadcast_in_dim3A_250 = vector.shape_cast %eq3A_248 : vector<1000x1xi1> to vector<1000x1xi1>
    %broadcast_in_dim3A_251 = vector.broadcast %broadcast_in_dim3A_250 : vector<1000x1xi1> to vector<1000x128xi1>
    %broadcast_in_dim3A_252 = vector.broadcast %jit3A_249 : f32 to vector<1000x128xf32>
    %select_n3A_253 = arith.select %broadcast_in_dim3A_251, %get3A_13, %broadcast_in_dim3A_252 : vector<1000x128xi1>, vector<1000x128xf32>
    %reduce_max3A_254 = arith.constant dense<0xFF800000> : vector<128xf32>
    %reduce_max3A_255 = vector.multi_reduction <maximumf>, %select_n3A_253, %reduce_max3A_254 [0] : vector<1000x128xf32> to vector<128xf32>
    %broadcast_in_dim3A_256 = vector.shape_cast %reduce_max3A_255 : vector<128xf32> to vector<1x128xf32>
    %get3A_257 = arith.constant 12 : index
    %get3A_258 = arith.constant 0 : index
    %get3A_259 = vector.load %arg6[%get3A_257, %get3A_258] : memref<16x128xf32, #tpu.memory_space<vmem>>, vector<1x128xf32>
    %max3A_260 = arith.maximumf %get3A_259, %broadcast_in_dim3A_256 : vector<1x128xf32>
    %swap3A_261 = arith.constant 12 : index
    %swap3A_262 = arith.constant 0 : index
    %swap3A_263 = vector.load %arg6[%swap3A_261, %swap3A_262] : memref<16x128xf32, #tpu.memory_space<vmem>>, vector<1x128xf32>
    tpu.vector_store %arg6[%swap3A_261, %swap3A_262], %max3A_260 {strides = array<i32>} : memref<16x128xf32, #tpu.memory_space<vmem>>, vector<1x128xf32>,
    %eq3A_264 = arith.constant 13 : i32
    %eq3A_265 = vector.broadcast %eq3A_264 : i32 to vector<1000x1xi32>
    %eq3A_266 = arith.cmpi eq, %get3A_10, %eq3A_265 : vector<1000x1xi32>
    %jit3A_267 = arith.constant 0xFF800000 : f32
    %broadcast_in_dim3A_268 = vector.shape_cast %eq3A_266 : vector<1000x1xi1> to vector<1000x1xi1>
    %broadcast_in_dim3A_269 = vector.broadcast %broadcast_in_dim3A_268 : vector<1000x1xi1> to vector<1000x128xi1>
    %broadcast_in_dim3A_270 = vector.broadcast %jit3A_267 : f32 to vector<1000x128xf32>
    %select_n3A_271 = arith.select %broadcast_in_dim3A_269, %get3A_13, %broadcast_in_dim3A_270 : vector<1000x128xi1>, vector<1000x128xf32>
    %reduce_max3A_272 = arith.constant dense<0xFF800000> : vector<128xf32>
    %reduce_max3A_273 = vector.multi_reduction <maximumf>, %select_n3A_271, %reduce_max3A_272 [0] : vector<1000x128xf32> to vector<128xf32>
    %broadcast_in_dim3A_274 = vector.shape_cast %reduce_max3A_273 : vector<128xf32> to vector<1x128xf32>
    %get3A_275 = arith.constant 13 : index
    %get3A_276 = arith.constant 0 : index
    %get3A_277 = vector.load %arg6[%get3A_275, %get3A_276] : memref<16x128xf32, #tpu.memory_space<vmem>>, vector<1x128xf32>
    %max3A_278 = arith.maximumf %get3A_277, %broadcast_in_dim3A_274 : vector<1x128xf32>
    %swap3A_279 = arith.constant 13 : index
    %swap3A_280 = arith.constant 0 : index
    %swap3A_281 = vector.load %arg6[%swap3A_279, %swap3A_280] : memref<16x128xf32, #tpu.memory_space<vmem>>, vector<1x128xf32>
    tpu.vector_store %arg6[%swap3A_279, %swap3A_280], %max3A_278 {strides = array<i32>} : memref<16x128xf32, #tpu.memory_space<vmem>>, vector<1x128xf32>,
    %eq3A_282 = arith.constant 14 : i32
    %eq3A_283 = vector.broadcast %eq3A_282 : i32 to vector<1000x1xi32>
    %eq3A_284 = arith.cmpi eq, %get3A_10, %eq3A_283 : vector<1000x1xi32>
    %jit3A_285 = arith.constant 0xFF800000 : f32
    %broadcast_in_dim3A_286 = vector.shape_cast %eq3A_284 : vector<1000x1xi1> to vector<1000x1xi1>
    %broadcast_in_dim3A_287 = vector.broadcast %broadcast_in_dim3A_286 : vector<1000x1xi1> to vector<1000x128xi1>
    %broadcast_in_dim3A_288 = vector.broadcast %jit3A_285 : f32 to vector<1000x128xf32>
    %select_n3A_289 = arith.select %broadcast_in_dim3A_287, %get3A_13, %broadcast_in_dim3A_288 : vector<1000x128xi1>, vector<1000x128xf32>
    %reduce_max3A_290 = arith.constant dense<0xFF800000> : vector<128xf32>
    %reduce_max3A_291 = vector.multi_reduction <maximumf>, %select_n3A_289, %reduce_max3A_290 [0] : vector<1000x128xf32> to vector<128xf32>
    %broadcast_in_dim3A_292 = vector.shape_cast %reduce_max3A_291 : vector<128xf32> to vector<1x128xf32>
    %get3A_293 = arith.constant 14 : index
    %get3A_294 = arith.constant 0 : index
    %get3A_295 = vector.load %arg6[%get3A_293, %get3A_294] : memref<16x128xf32, #tpu.memory_space<vmem>>, vector<1x128xf32>
    %max3A_296 = arith.maximumf %get3A_295, %broadcast_in_dim3A_292 : vector<1x128xf32>
    %swap3A_297 = arith.constant 14 : index
    %swap3A_298 = arith.constant 0 : index
    %swap3A_299 = vector.load %arg6[%swap3A_297, %swap3A_298] : memref<16x128xf32, #tpu.memory_space<vmem>>, vector<1x128xf32>
    tpu.vector_store %arg6[%swap3A_297, %swap3A_298], %max3A_296 {strides = array<i32>} : memref<16x128xf32, #tpu.memory_space<vmem>>, vector<1x128xf32>,
    %eq3A_300 = arith.constant 15 : i32
    %eq3A_301 = vector.broadcast %eq3A_300 : i32 to vector<1000x1xi32>
    %eq3A_302 = arith.cmpi eq, %get3A_10, %eq3A_301 : vector<1000x1xi32>
    %jit3A_303 = arith.constant 0xFF800000 : f32
    %broadcast_in_dim3A_304 = vector.shape_cast %eq3A_302 : vector<1000x1xi1> to vector<1000x1xi1>
    %broadcast_in_dim3A_305 = vector.broadcast %broadcast_in_dim3A_304 : vector<1000x1xi1> to vector<1000x128xi1>
    %broadcast_in_dim3A_306 = vector.broadcast %jit3A_303 : f32 to vector<1000x128xf32>
    %select_n3A_307 = arith.select %broadcast_in_dim3A_305, %get3A_13, %broadcast_in_dim3A_306 : vector<1000x128xi1>, vector<1000x128xf32>
    %reduce_max3A_308 = arith.constant dense<0xFF800000> : vector<128xf32>
    %reduce_max3A_309 = vector.multi_reduction <maximumf>, %select_n3A_307, %reduce_max3A_308 [0] : vector<1000x128xf32> to vector<128xf32>
    %broadcast_in_dim3A_310 = vector.shape_cast %reduce_max3A_309 : vector<128xf32> to vector<1x128xf32>
    %get3A_311 = arith.constant 15 : index
    %get3A_312 = arith.constant 0 : index
    %get3A_313 = vector.load %arg6[%get3A_311, %get3A_312] : memref<16x128xf32, #tpu.memory_space<vmem>>, vector<1x128xf32>
    %max3A_314 = arith.maximumf %get3A_313, %broadcast_in_dim3A_310 : vector<1x128xf32>
    %swap3A_315 = arith.constant 15 : index
    %swap3A_316 = arith.constant 0 : index
    %swap3A_317 = vector.load %arg6[%swap3A_315, %swap3A_316] : memref<16x128xf32, #tpu.memory_space<vmem>>, vector<1x128xf32>
    tpu.vector_store %arg6[%swap3A_315, %swap3A_316], %max3A_314 {strides = array<i32>} : memref<16x128xf32, #tpu.memory_space<vmem>>, vector<1x128xf32>,
    %get3A_318 = arith.constant 0 : index
    %get3A_319 = arith.constant 0 : index
    %get3A_320 = vector.load %arg7[%get3A_318, %get3A_319] : memref<16x128xf32, #tpu.memory_space<vmem>>, vector<16x128xf32>
    %max3A_321 = arith.constant 1.000000e+00 : f32
    %max3A_322 = vector.broadcast %max3A_321 : f32 to vector<16x128xf32>
    %max3A_323 = arith.maximumf %get3A_320, %max3A_322 : vector<16x128xf32>
    %get3A_324 = arith.constant 0 : index
    %get3A_325 = arith.constant 0 : index
    %get3A_326 = vector.load %arg5[%get3A_324, %get3A_325] : memref<16x128xf32, #tpu.memory_space<vmem>>, vector<16x128xf32>
    %div3A = arith.divf %get3A_326, %max3A_323 : vector<16x128xf32>
    %get3A_327 = arith.constant 0 : index
    %get3A_328 = arith.constant 0 : index
    %get3A_329 = vector.load %arg6[%get3A_327, %get3A_328] : memref<16x128xf32, #tpu.memory_space<vmem>>, vector<16x128xf32>
    %get3A_330 = arith.constant 0 : index
    %get3A_331 = arith.constant 0 : index
    %get3A_332 = vector.load %arg5[%get3A_330, %get3A_331] : memref<16x128xf32, #tpu.memory_space<vmem>>, vector<16x128xf32>
    %concatenate3A = tpu.concatenate %div3A, %get3A_329, %get3A_332 in 1 : vector<16x128xf32>, vector<16x128xf32>, vector<16x128xf32> -> vector<16x384xf32>
    %swap3A_333 = arith.constant 0 : index
    %swap3A_334 = arith.constant 0 : index
    %swap3A_335 = vector.load %arg4[%swap3A_333, %swap3A_334] : memref<16x384xf32, #tpu.memory_space<vmem>>, vector<16x384xf32>
    tpu.vector_store %arg4[%swap3A_333, %swap3A_334], %concatenate3A {strides = array<i32>} : memref<16x384xf32, #tpu.memory_space<vmem>>, vector<16x384xf32>,
    return
  }
  func.func @transform_0(%arg0: i32) -> (i32, i32) {
    %c0_i32 = arith.constant 0 : i32
    %c0_i32_0 = arith.constant 0 : i32
    return %arg0, %c0_i32 : i32, i32
  }
  func.func @transform_1(%arg0: i32) -> (i32, i32, i32) {
    %c0_i32 = arith.constant 0 : i32
    %c0_i32_0 = arith.constant 0 : i32
    %c0_i32_1 = arith.constant 0 : i32
    return %arg0, %c0_i32, %c0_i32_0 : i32, i32, i32
  }
  func.func @transform_2(%arg0: i32) -> (i32, i32, i32) {
    %c0_i32 = arith.constant 0 : i32
    %c0_i32_0 = arith.constant 0 : i32
    %c0_i32_1 = arith.constant 0 : i32
    return %arg0, %c0_i32, %c0_i32_0 : i32, i32, i32
  }
  func.func @transform_3(%arg0: i32) -> (i32, i32) {
    %c0_i32 = arith.constant 0 : i32
    %c0_i32_0 = arith.constant 0 : i32
    %c0_i32_1 = arith.constant 0 : i32
    return %c0_i32, %c0_i32_0 : i32, i32
  }
}

</mosaic_0001>

<sc_bundles>
// kernel: kernel.10.cloned.1.call-start
scs
__scs_entry_jumppad:
0x0: {  	(pc) =	sbr.rel $0x88, $3  }
0x1: {  	(tag) =	ssettag $0x0;
	lr =	simm.s32 $0x1  }
0x2: {  	[smem:$0x3F87] =	sst lr;
	_ =	strace $0xD0000000  }
0x3: {  	_ = 	snop  }
0x4: {  	_ = 	snop  }
0x5: {  	_ = 	snop  }
0x6: {  	_ = 	snop  }
0x7: {  	_ = 	snop  }
__scs_overlays_trampoline_lowered:
0x8: {  	[smem:$0x3F96] =	sst s0  }
0x9: {  	[smem:$0x3F97] =	sst s1  }
0xa: {  	[smem:$0x3F98] =	sst s2  }
0xb: {  	[smem:$0x3F99] =	sst s3  }
0xc: {  	[smem:$0x3F9A] =	sst s4  }
0xd: {  	[smem:$0x3F9B] =	sst s5  }
0xe: {  	[smem:$0x3F9C] =	sst s6  }
0xf: {  	[smem:$0x3F9D] =	sst s7  }
0x10: {  	[smem:$0x3F9E] =	sst s8  }
0x11: {  	[smem:$0x3F9F] =	sst s9;
	s0 =	simm.s32 @!p0 $0x0  }
0x12: {  	s1 =	sld [smem:$0x3F85];
	s0 =	simm.s32 @p0 $0x1  }
0x13: {  	[smem:$0x3FA0] =	sst s0;
	s0 =	simm.s32 @!p1 $0x0  }
0x14: {  	s2 =	sld [smem:$0x3F84];
	s0 =	simm.s32 @p1 $0x1  }
0x15: {  	[smem:$0x3FA1] =	sst s0;
	s0 =	simm.s32 @!p2 $0x0  }
0x16: {  	s3 =	sld [smem:$0x3FDB];
	s0 =	simm.s32 @p2 $0x1  }
0x17: {  	s4 =	simm.s32 $0x1BF5;
	[smem:$0x3FA3] =	sst s0  }
0x18: {  	s0 =	sld [smem:$0x3F86];
	_ =	swait.ge [sflag:s4], $0x0  }
0x19: {  	s7 =	sld [smem:$0x3F87]  }
0x1a: {  	s8 =	sadd.s32 $0xFFFFE003, lr  }
0x1b: {  	s9 =	sadd.s32 $0xFFFFFEF7, lr;
	s5 =	simm.s32 $0xFFFFFFFF;
	p2 =	slt.u32 s8, $0xFFFFF086  }
0x1c: {  	p1 =	slt.u32 s9, $0xF7A;
	s5 =	simm.s32 @!p2 $0x0  }
0x1d: {  	s5 =	simm.s32 @p1 $0x1;
	p0 =	seq.s32 s7, s2  }
0x1e: {  	s7 =	smul.u32 @!p0 $0xF7A, s2;
	p2 =	seq.s32 @!p0 s5, $0x0  }
0x1f: {  	s9 =	smul.u32 $0xF7A, s1;
	s8 =	simm.s32 @!p0 $0x1BF5;
	p2 =	por !p2, p0  }
0x20: {  	[sflag:s8] =	ssyncset.s32 @!p0 $0xFFFFF086;
	s6 =	sadd.s32 @!p0 s3, s7;
	s7 =	simm.s32 @!p0 $0x108  }
0x21: {  	s3 =	sadd.s32 s3, s9;
	s6 =	sadd.s32 @!p0 $0x88, s6;
	s7 =	simm.s32 @p2 $0x1082  }
0x22: {  	[simem:s7], [sflag:s8] =	dma.local @!p0 [hbm:s6], $0xF7A  }
0x23: {  	s9 =	sor.u32 $0xD0000000, s2;
	s6 =	simm.s32 $0x108;
	_ =	swait.ge @!p0 [sflag:s8], $0x0  }
0x24: {  	s3 =	sadd.s32 $0x88, s3;
	s6 =	simm.s32 @!p1 $0x1082;
	[sflag:s4] =	ssyncset.s32 $0xFFFFF086  }
0x25: {  	[simem:s6], [sflag:s4] =	dma.local [hbm:s3], $0xF7A  }
0x26: {  	[smem:$0x3F87] =	sst s1;
	(tag) =	ssettag s2;
	_ =	strace s9  }
0x27: {  	s1 =	sld [smem:$0x3F97]  }
0x28: {  	s2 =	sld [smem:$0x3F98]  }
0x29: {  	s4 =	sld [smem:$0x3F9A]  }
0x2a: {  	p0 =	seq.s32 s5, $0x0;
	s5 =	sld [smem:$0x3F9B]  }
0x2b: {  	s6 =	sld [smem:$0x3F9C]  }
0x2c: {  	s7 =	sld [smem:$0x3F9D]  }
0x2d: {  	s3 =	simm.s32 $0x108;
	s8 =	sld [smem:$0x3F9E]  }
0x2e: {  	s3 =	simm.s32 @!p0 $0x1082;
	s9 =	sld [smem:$0x3F9F]  }
0x2f: {  	lr =	sadd.s32 s0, s3;
	s0 =	sld [smem:$0x3F96]  }
0x30: {  	s3 =	sld [smem:$0x3F99]  }
0x31: {  	[smem:$0x3FA2] =	sst s10  }
0x32: {  	s10 =	sld [smem:$0x3FA0];
	_ =	sdelay $0x3  }
0x33: {  	p0 =	seq.s32 s10, $0x1;
	s10 =	sld [smem:$0x3FA2];
	_ =	sdelay $0x3  }
0x34: {  	[smem:$0x3FA2] =	sst s10  }
0x35: {  	s10 =	sld [smem:$0x3FA1];
	_ =	sdelay $0x3  }
0x36: {  	p1 =	seq.s32 s10, $0x1;
	s10 =	sld [smem:$0x3FA2];
	_ =	sdelay $0x3  }
0x37: {  	[smem:$0x3FA2] =	sst s10  }
0x38: {  	s10 =	sld [smem:$0x3FA3]  }
0x39: {  	_ = 	snop;
	(pc) =	sbr.ind lr, $3  }
0x3a: {  	_ = 	snop  }
0x3b: {  	_ = 	snop  }
0x3c: {  	p2 =	seq.s32 s10, $0x1;
	s10 =	sld [smem:$0x3FA2]  }
0x3d: {  	_ =	shalt  }
0x3e: {  	_ =	shalt  }
0x3f: {  	_ =	shalt  }
0x40: {  	_ =	shalt  }
0x41: {  	_ =	shalt  }
0x42: {  	_ =	shalt  }
0x43: {  	_ =	shalt  }
0x44: {  	_ =	shalt  }
0x45: {  	_ =	shalt  }
0x46: {  	_ =	shalt  }
0x47: {  	_ =	shalt  }
0x48: {  	_ =	shalt  }
0x49: {  	_ =	shalt  }
0x4a: {  	_ =	shalt  }
0x4b: {  	_ =	shalt  }
0x4c: {  	_ =	shalt  }
0x4d: {  	_ =	shalt  }
0x4e: {  	_ =	shalt  }
0x4f: {  	_ =	shalt  }
0x50: {  	_ =	shalt  }
0x51: {  	_ =	shalt  }
0x52: {  	_ =	shalt  }
0x53: {  	_ =	shalt  }
0x54: {  	_ =	shalt  }
0x55: {  	_ =	shalt  }
0x56: {  	_ =	shalt  }
0x57: {  	_ =	shalt  }
0x58: {  	_ =	shalt  }
0x59: {  	_ =	shalt  }
0x5a: {  	_ =	shalt  }
0x5b: {  	_ =	shalt  }
0x5c: {  	_ =	shalt  }
0x5d: {  	_ =	shalt  }
0x5e: {  	_ =	shalt  }
0x5f: {  	_ =	shalt  }
0x60: {  	_ =	shalt  }
0x61: {  	_ =	shalt  }
0x62: {  	_ =	shalt  }
0x63: {  	_ =	shalt  }
0x64: {  	_ =	shalt  }
0x65: {  	_ =	shalt  }
0x66: {  	_ =	shalt  }
0x67: {  	_ =	shalt  }
0x68: {  	_ =	shalt  }
0x69: {  	_ =	shalt  }
0x6a: {  	_ =	shalt  }
0x6b: {  	_ =	shalt  }
0x6c: {  	_ =	shalt  }
0x6d: {  	_ =	shalt  }
0x6e: {  	_ =	shalt  }
0x6f: {  	_ =	shalt  }
0x70: {  	_ =	shalt  }
0x71: {  	_ =	shalt  }
0x72: {  	_ =	shalt  }
0x73: {  	_ =	shalt  }
0x74: {  	_ =	shalt  }
0x75: {  	_ =	shalt  }
0x76: {  	_ =	shalt  }
0x77: {  	_ =	shalt  }
0x78: {  	_ =	shalt  }
0x79: {  	_ =	shalt  }
0x7a: {  	_ =	shalt  }
0x7b: {  	_ =	shalt  }
0x7c: {  	_ =	shalt  }
0x7d: {  	_ =	shalt  }
0x7e: {  	_ =	shalt  }
0x7f: {  	_ =	shalt  }
0x80: {  	_ =	shalt  }
0x81: {  	_ =	shalt  }
0x82: {  	_ =	shalt  }
0x83: {  	_ =	shalt  }
0x84: {  	_ =	shalt  }
0x85: {  	_ =	shalt  }
0x86: {  	_ =	shalt  }
0x87: {  	_ =	shalt  }
.Lfunc_end0:
.L_simem_size_0:
called_computation_lowered:
.L_overlay_start_0:
0x88: {  	s2 =	sld [smem:$0x3FD9]  }
0x89: {  	s3 =	sld [smem:$0x3FFE];
	_ =	sdelay $0x1  }
0x8a: {  	s1 =	srdreg.scid  }
0x8b: {  	s0 =	sand.u32 $0x1, s1  }
0x8c: {  	s16 =	sshll.u32 s0, $0xA;
	s2 =	sadd.s32 s3, s2  }
0x8d: {  	s2 =	sadd.s32 s2, s16  }
0x8e: {  	[smem:$0x3FAE] =	sst s2  }
0x8f: {  	_ = 	snop  }
0x90: {  	(tm) =	ssettm $0x1  }
0x91: {  	s17 =	sld [smem:$0x3FFB];
	_ =	sdelay $0x3  }
0x92: {  	_ =	strace s17  }
0x93: {  	s2 =	sld [smem:$0x3FFC];
	_ =	sdelay $0x3  }
0x94: {  	_ =	strace s2  }
0x95: {  	s2 =	sld [smem:$0x3FFD];
	_ =	sdelay $0x3  }
0x96: {  	_ =	strace s2  }
0x97: {  	_ =	strace $0x8FFFFFFF  }
0x98: {  	s18 =	sld [smem:$0x3FDB];
	_ =	sdelay $0x1  }
0x99: {  	s19 =	simm.s32 $_scs_section_size  }
0x9a: {  	s4 =	simm.s32 $_size__tile_overlayer_lowered;
	s5 =	simm.s32 $_tile_overlayer_lowered  }
0x9b: {  	s22 =	simm.s32 $0x1BFF;
	s21 =	sshll.u32 s5, $0x1;
	s2 =	sadd.s32 s19, s18  }
0x9c: {  	s6 =	simm.s32 $0x0;
	s20 =	sshll.u32 s4, $0x1;
	s4 =	sadd.s32 s21, s2  }
0x9d: {  	[timem:s6], [sflag:s22] =	dma.local [hbm:s4], s20  }
0x9e: {  	_ =	swait.ge [sflag:s22], s20  }
0x9f: {  	s3 =	ssub.s32 $0x0, s20;
	[sflag:s22] =	ssyncset.done $0x0  }
0xa0: {  	[sflag:s22] =	ssyncadd.s32 s3;
	_ =	sdelay $0x1  }
0xa1: {  	s23 =	simm.s32 $0x1B8B  }
0xa2: {  	_ =	swait.ge [sflag:s23], $0x1  }
0xa3: {  	[sflag:s23] =	ssyncset.done $0x0  }
0xa4: {  	s25 =	simm.s32 $0x1B8E;
	s24 =	sld [smem:$0x3FFE];
	[sflag:s23] =	ssyncadd.s32 $0xFFFFFFFF  }
0xa5: {  	s26 =	simm.s32 $execute0_lowered;
	[smem:$0x3FD2] =	sst s25  }
0xa6: {  	s4 =	sshll.u32 s26, $0x1;
	_ =	strace $0x80000046;
	[dreg:$0x1] =	wrdreg $0xFFFFFFFF  }
0xa7: {  	s28 =	simm.s32 $_size_execute0_lowered;
	s2 =	sadd.s32 s2, s4;
	[dreg:$0x0] =	wrdreg $0x0  }
0xa8: {  	s4 =	sshll.u32 s28, $0x1;
	[dreg:$0x2] =	wrdreg s2  }
0xa9: {  	[dreg:$0x3] =	wrdreg s4  }
0xaa: {  	[dreg:$0x4] =	wrdreg $0xC0  }
0xab: {  	_ =	task [dreg:s6], $0x5FFFF  }
0xac: {  	[dreg:$0x1] =	wrdreg $0xFFFFFFFF  }
0xad: {  	[dreg:$0x0] =	wrdreg $0x60  }
0xae: {  	[dreg:$0x2] =	wrdreg s24  }
0xaf: {  	[dreg:$0x3] =	wrdreg $0x0  }
0xb0: {  	[dreg:$0x4] =	wrdreg $0x9  }
0xb1: {  	_ =	task.clear_ibuf [dreg:s6], $0x5FFFF;
	_ =	strace $0x90000046  }
0xb2: {  	s29 =	simm.s32 $0x9;
	_ =	strace $0x80000048  }
0xb3: {  	_ =	swait.ge [sflag:s29], $0x1  }
0xb4: {  	[sflag:s29] =	ssyncadd.s32 $0xFFFFFFFF  }
0xb5: {  	_ =	strace $0x90000048  }
0xb6: {  	_ =	sfence  }
0xb7: {  	s30 =	sld [smem:$0x0];
	_ =	sdelay $0x2  }
0xb8: {  	s31 =	sshll.u32 s1, $0xD;
	s1 =	sshrl.u32 s1, $0x2  }
0xb9: {  	s3 =	sand.u32 $0x4000, s31;
	s1 =	sadd.s32 s1, s30  }
0xba: {  	s0 =	sor.u32 s3, s0;
	s1 =	sshll.u32 s1, $0x11  }
0xbb: {  	s0 =	sor.u32 s1, s0  }
0xbc: {  	s0 =	sadd.s32 $0x8F2B, s0  }
0xbd: {  	[sflag:s0] =	ssyncadd.remote.s32 $0x1  }
0xbe: {  	_ =	sfence.sel $0xFFFF  }
0xbf: {  	[dreg:$0x0] =	wrdreg $0xFFFFFFFF;
	(pc) =	sbr.abs _section_cstart, $3  }
0xc0: {  	[dreg:$0x1] =	wrdreg $0xFFFFFFFF  }
0xc1: {  	_ =	task.clear_ibuf [dreg:s6], $0x2FFFF;
	_ =	strace $0x9FFFFFFF  }
0xc2: {  	(tm) =	ssettm $0x7FFFFFFF  }
0xc3: {  	_ =	shalt  }
tec
execute0_lowered:
.L_overlay_start_1:
0x0: {  	(tag) =	ssettag $0x1  }
0x1: {  	s5 =	rddreg [dreg:$0x0]  }
0x2: {  	s2 =	rddreg [dreg:$0x1]  }
0x3: {  	s0 =	srdreg.scid;
	s1 =	rddreg [dreg:$0x2]  }
0x4: {  	s3 =	simm.s32 $0x0;
	s14 =	simm.s32 $0x16380;
	s6 =	sand.u32 $0x1, s0  }
0x5: {  	s15 =	simm.s32 $0x80;
	s0 =	stileid.u32;
	s4 =	smul.u32 $0x27800, s6  }
0x6: {  	s16 =	simm.s32 $0x18B00;
	s17 =	simm.s32 $0x1;
	s7 =	smul.u32 $0x2780, s0  }
0x7: {  	s18 =	simm.s32 $0x0;
	[smem:$0x7FF] =	sst s3;
	s8 =	smul.u32 $0x13C00, s0  }
0x8: {  	s9 =	smul.u32 $0x13C000, s6;
	_ =	strace $0x80000047;
	s6 =	ssub.s32 $0x2, s6  }
0x9: {  	s28 =	smul.u32 $0x4F000, s0;
	s31 =	sshll.u32 s0, $0x6;
	s29 =	sshrl.u32 s6, $0x1  }
0xa: {  	s7 =	sadd.s32 s7, s4;
	s4 =	sadd.s32 $0x18000, s5;
	s26 =	sshrl.u32 s8, $0x3  }
0xb: {  	s8 =	sadd.s32 s8, s9;
	s12 =	ssub.s32 s6, s29;
	s30 =	sshrl.u32 s28, $0x2  }
0xc: {  	s6 =	sor.u32 $0x1C02, s31;
	s7 =	sshrl.u32 s7, $0x3;
	s8 =	sshrl.u32 s8, $0x3  }
0xd: {  	s13 =	sadd.s32 s30, s2;
	s10 =	sadd.s32 s7, s5;
	s7 =	sadd.s32 s26, s5  }
0xe: {  	s11 =	sadd.s32 s8, s5;
	s5 =	sadd.s32 $0x3F200, s7;
	s7 =	sadd.s32 $0xE200, s10  }
0xf: {  	s8 =	sadd.s32 $0x4400, s10;
	s9 =	sadd.s32 $0x66A00, s11;
	s10 =	smax.u32 s12, $0x1  }
0x10: {  	s11 =	sshrl.u32 s13, $0x3;
	s12 =	simm.s32 $0x2;
	s13 =	simm.s32 $0x13C00  }
.LBB2_1:
0x11: {  	[spmem:s11], [sflag:s6] =	dma.local [hbm:s5], $0x2780  }
0x12: {  	_ =	swait.ge [sflag:s12], $0x2780  }
0x13: {  	[sflag:s12] =	ssyncset.done $0x0  }
0x14: {  	[sflag:s12] =	ssyncadd.s32 $0xFFFFD880  }
0x15: {  	[bflag:$0x0] =	sbarrier.arrive $0xFFFF  }
0x16: {  	[tilespmem:s13], [sflag:$0x2] =	stream.linear.gather [hbm4b:s7+s3], $0x2780, $0x38;
	[tilespmem:$0x1CB00] =	vst v63  }
0x17: {  	_ =	swait.ge [sflag:s12], $0x2780  }
0x18: {  	[sflag:s12] =	ssyncset.done $0x0  }
0x19: {  	[sflag:s12] =	ssyncadd.s32 $0xFFFFD880  }
0x1a: {  	[tilespmem:s14], [sflag:$0x2] =	stream.linear.gather [hbm4b:s8+s3], $0x2780, $0x38;
	[tilespmem:$0x1CB00] =	vst v63  }
0x1b: {  	_ =	swait.ge [sflag:s12], $0x2780  }
0x1c: {  	[sflag:s12] =	ssyncset.done $0x0  }
0x1d: {  	s19 =	simm.s32 $0x13C00;
	[sflag:s12] =	ssyncadd.s32 $0xFFFFD880  }
0x1e: {  	[tilespmem:s16], [sflag:$0x1] =	stream.indirect.gather [hbm4b:s4+s15], $0x80, s19, s15, $0xb8;
	[tilespmem:$0x1CB00] =	vst v63  }
0x1f: {  	_ =	swait.ge [sflag:s17], $0x4000  }
0x20: {  	[sflag:s17] =	ssyncset.done $0x0  }
0x21: {  	s31 =	simm.s32 $0x16380;
	[sflag:s17] =	ssyncadd.s32 $0xFFFFC000  }
0x22: {  	[spmem:s2] =	stream.indirect.scatter.add.f32 [tilespmem:s16], [sflag:$0x2], $0x80, s31, s15, $0xb8;
	[tilespmem:$0x1CB00] =	vst v63  }
0x23: {  	_ =	swait.ge [sflag:s12], $0x4000  }
0x24: {  	s20 =	simm.s32 $0x400;
	s19 =	simm.s32 $0x80;
	[sflag:s12] =	ssyncset.done $0x0  }
.LBB2_2:
0x25: {  	s21 =	sadd.s32 $0x13C00, s19  }
0x26: {  	[sflag:s12] =	ssyncadd.s32 $0xFFFFC000;
	s22 =	smov.u32 s20;
	s23 =	sadd.s32 $0x200, s20  }
0x27: {  	[tilespmem:s16], [sflag:$0x1] =	stream.indirect.gather [hbm4b:s4+s15], $0x80, s21, s15, $0xb8;
	[tilespmem:$0x1CB00] =	vst v63  }
0x28: {  	p0 =	sne.s32 s20, $0x9C00;
	_ =	swait.ge [sflag:s17], $0x4000  }
.Ltmp0:
0x29: {  	[sflag:s17] =	ssyncset.done $0x0;
	(pc) =	sbr.rel @p0 .LBB2_2-.Ltmp0, $4  }
0x2a: {  	s19 =	sadd.s32 $0x16380, s19;
	[sflag:s17] =	ssyncadd.s32 $0xFFFFC000  }
0x2b: {  	[spmem:s2] =	stream.indirect.scatter.add.f32 [tilespmem:s16], [sflag:$0x2], $0x80, s19, s15, $0xb8;
	[tilespmem:$0x1CB00] =	vst v63  }
0x2c: {  	_ =	swait.ge [sflag:s12], $0x4000  }
0x2d: {  	s20 =	smov.u32 s23;
	s19 =	sshra.s32 s22, $0x2;
	[sflag:s12] =	ssyncset.done $0x0  }
0x2e: {  	s20 =	sadd.s32 $0x13C00, s19;
	[sflag:s12] =	ssyncadd.s32 $0xFFFFC000  }
0x2f: {  	[tilespmem:s16], [sflag:$0x1] =	stream.indirect.gather [hbm4b:s4+s15], $0x80, s20, s15, $0xb8;
	[tilespmem:$0x1CB00] =	vst v63  }
0x30: {  	_ =	swait.ge [sflag:s17], $0x4000  }
0x31: {  	[sflag:s17] =	ssyncset.done $0x0  }
0x32: {  	s31 =	sadd.s32 $0x16380, s19;
	[sflag:s17] =	ssyncadd.s32 $0xFFFFC000  }
0x33: {  	[spmem:s2] =	stream.indirect.scatter.add.f32 [tilespmem:s16], [sflag:$0x2], $0x80, s31, s15, $0xb8;
	[tilespmem:$0x1CB00] =	vst v63  }
0x34: {  	_ =	swait.ge [sflag:s12], $0x4000  }
0x35: {  	s18 =	sadd.s32 $0x1, s18;
	[sflag:s12] =	ssyncset.done $0x0  }
0x36: {  	p0 =	sne.s32 s18, s10;
	[sflag:s12] =	ssyncadd.s32 $0xFFFFC000  }
.Ltmp1:
0x37: {  	[bflag:$0x0] =	sbarrier.arrive $0xFFFF;
	(pc) =	sbr.rel @p0 .LBB2_1-.Ltmp1, $4  }
0x38: {  	[hbm:s9], [sflag:s6] =	dma.local [spmem:s11], $0x2780  }
0x39: {  	_ =	swait.ge [sflag:s12], $0x2780  }
0x3a: {  	[sflag:s12] =	ssyncset.done $0x0  }
0x3b: {  	[sflag:s12] =	ssyncadd.s32 $0xFFFFD880  }
0x3c: {  	_ =	sfence.sel $0x180000  }
0x3d: {  	[bflag:$0x0] =	sbarrier.arrive $0xFFFF  }
0x3e: {  	p0 =	sne.s32 s0, $0x0;
	_ =	strace $0x90000047  }
0x3f: {  	s0 =	sadd.s32 @!p0 $0x100000, s1;
	[bflag:$0x2] =	sbarrier.arrive $0xFFFF  }
0x40: {  	[sflag:s0] =	ssyncadd.tile.s32 @!p0 $0x1;
	_ =	shalt  }
.Lfunc_end2:
_tile_overlayer_lowered:
.L_overlay_start_2:
0x41: {  	(tag) =	ssettag $0x2  }
0x42: {  	s0 =	rddreg [dreg:$0x0];
	s2 =	stileid.u32  }
0x43: {  	s1 =	rddreg [dreg:$0x1];
	p0 =	sne.s32 s2, $0x0  }
0x44: {  	s3 =	rddreg [dreg:$0x2];
	[bflag:$0x3] =	sbarrier.arrive $0xFFFF;
	s2 =	simm.s32 @!p0 $0x1C02  }
0x45: {  	[timem:s3], [sflag:s2] =	dma.local @!p0 [hbm:s0], s1  }
0x46: {  	s0 =	simm.s32 @!p0 $0x2  }
0x47: {  	_ =	swait.ge @!p0 [sflag:s0], s1  }
0x48: {  	s1 =	ssub.s32 @!p0 $0x0, s1;
	[sflag:s0] =	ssyncset.done @!p0 $0x0  }
0x49: {  	[sflag:s0] =	ssyncadd.s32 @!p0 s1  }
0x4a: {  	[bflag:$0x3] =	sbarrier.arrive $0xFFFF  }
0x4b: {  	_ =	shalt  }

// kernel: kernel.13.cloned.1.call-start
scs
__scs_entry_jumppad:
0x0: {  	(pc) =	sbr.rel $0x88, $3  }
0x1: {  	(tag) =	ssettag $0x0;
	lr =	simm.s32 $0x1  }
0x2: {  	[smem:$0x3F87] =	sst lr;
	_ =	strace $0xD0000000  }
0x3: {  	_ = 	snop  }
0x4: {  	_ = 	snop  }
0x5: {  	_ = 	snop  }
0x6: {  	_ = 	snop  }
0x7: {  	_ = 	snop  }
__scs_overlays_trampoline_lowered:
0x8: {  	[smem:$0x3F96] =	sst s0  }
0x9: {  	[smem:$0x3F97] =	sst s1  }
0xa: {  	[smem:$0x3F98] =	sst s2  }
0xb: {  	[smem:$0x3F99] =	sst s3  }
0xc: {  	[smem:$0x3F9A] =	sst s4  }
0xd: {  	[smem:$0x3F9B] =	sst s5  }
0xe: {  	[smem:$0x3F9C] =	sst s6  }
0xf: {  	[smem:$0x3F9D] =	sst s7  }
0x10: {  	[smem:$0x3F9E] =	sst s8  }
0x11: {  	[smem:$0x3F9F] =	sst s9;
	s0 =	simm.s32 @!p0 $0x0  }
0x12: {  	s1 =	sld [smem:$0x3F85];
	s0 =	simm.s32 @p0 $0x1  }
0x13: {  	[smem:$0x3FA0] =	sst s0;
	s0 =	simm.s32 @!p1 $0x0  }
0x14: {  	s2 =	sld [smem:$0x3F84];
	s0 =	simm.s32 @p1 $0x1  }
0x15: {  	[smem:$0x3FA1] =	sst s0;
	s0 =	simm.s32 @!p2 $0x0  }
0x16: {  	s3 =	sld [smem:$0x3FDB];
	s0 =	simm.s32 @p2 $0x1  }
0x17: {  	s4 =	simm.s32 $0x1BF5;
	[smem:$0x3FA3] =	sst s0  }
0x18: {  	s0 =	sld [smem:$0x3F86];
	_ =	swait.ge [sflag:s4], $0x0  }
0x19: {  	s7 =	sld [smem:$0x3F87]  }
0x1a: {  	s8 =	sadd.s32 $0xFFFFE003, lr  }
0x1b: {  	s9 =	sadd.s32 $0xFFFFFEF7, lr;
	s5 =	simm.s32 $0xFFFFFFFF;
	p2 =	slt.u32 s8, $0xFFFFF086  }
0x1c: {  	p1 =	slt.u32 s9, $0xF7A;
	s5 =	simm.s32 @!p2 $0x0  }
0x1d: {  	s5 =	simm.s32 @p1 $0x1;
	p0 =	seq.s32 s7, s2  }
0x1e: {  	s7 =	smul.u32 @!p0 $0xF7A, s2;
	p2 =	seq.s32 @!p0 s5, $0x0  }
0x1f: {  	s9 =	smul.u32 $0xF7A, s1;
	s8 =	simm.s32 @!p0 $0x1BF5;
	p2 =	por !p2, p0  }
0x20: {  	[sflag:s8] =	ssyncset.s32 @!p0 $0xFFFFF086;
	s6 =	sadd.s32 @!p0 s3, s7;
	s7 =	simm.s32 @!p0 $0x108  }
0x21: {  	s3 =	sadd.s32 s3, s9;
	s6 =	sadd.s32 @!p0 $0x88, s6;
	s7 =	simm.s32 @p2 $0x1082  }
0x22: {  	[simem:s7], [sflag:s8] =	dma.local @!p0 [hbm:s6], $0xF7A  }
0x23: {  	s9 =	sor.u32 $0xD0000000, s2;
	s6 =	simm.s32 $0x108;
	_ =	swait.ge @!p0 [sflag:s8], $0x0  }
0x24: {  	s3 =	sadd.s32 $0x88, s3;
	s6 =	simm.s32 @!p1 $0x1082;
	[sflag:s4] =	ssyncset.s32 $0xFFFFF086  }
0x25: {  	[simem:s6], [sflag:s4] =	dma.local [hbm:s3], $0xF7A  }
0x26: {  	[smem:$0x3F87] =	sst s1;
	(tag) =	ssettag s2;
	_ =	strace s9  }
0x27: {  	s1 =	sld [smem:$0x3F97]  }
0x28: {  	s2 =	sld [smem:$0x3F98]  }
0x29: {  	s4 =	sld [smem:$0x3F9A]  }
0x2a: {  	p0 =	seq.s32 s5, $0x0;
	s5 =	sld [smem:$0x3F9B]  }
0x2b: {  	s6 =	sld [smem:$0x3F9C]  }
0x2c: {  	s7 =	sld [smem:$0x3F9D]  }
0x2d: {  	s3 =	simm.s32 $0x108;
	s8 =	sld [smem:$0x3F9E]  }
0x2e: {  	s3 =	simm.s32 @!p0 $0x1082;
	s9 =	sld [smem:$0x3F9F]  }
0x2f: {  	lr =	sadd.s32 s0, s3;
	s0 =	sld [smem:$0x3F96]  }
0x30: {  	s3 =	sld [smem:$0x3F99]  }
0x31: {  	[smem:$0x3FA2] =	sst s10  }
0x32: {  	s10 =	sld [smem:$0x3FA0];
	_ =	sdelay $0x3  }
0x33: {  	p0 =	seq.s32 s10, $0x1;
	s10 =	sld [smem:$0x3FA2];
	_ =	sdelay $0x3  }
0x34: {  	[smem:$0x3FA2] =	sst s10  }
0x35: {  	s10 =	sld [smem:$0x3FA1];
	_ =	sdelay $0x3  }
0x36: {  	p1 =	seq.s32 s10, $0x1;
	s10 =	sld [smem:$0x3FA2];
	_ =	sdelay $0x3  }
0x37: {  	[smem:$0x3FA2] =	sst s10  }
0x38: {  	s10 =	sld [smem:$0x3FA3]  }
0x39: {  	_ = 	snop;
	(pc) =	sbr.ind lr, $3  }
0x3a: {  	_ = 	snop  }
0x3b: {  	_ = 	snop  }
0x3c: {  	p2 =	seq.s32 s10, $0x1;
	s10 =	sld [smem:$0x3FA2]  }
0x3d: {  	_ =	shalt  }
0x3e: {  	_ =	shalt  }
0x3f: {  	_ =	shalt  }
0x40: {  	_ =	shalt  }
0x41: {  	_ =	shalt  }
0x42: {  	_ =	shalt  }
0x43: {  	_ =	shalt  }
0x44: {  	_ =	shalt  }
0x45: {  	_ =	shalt  }
0x46: {  	_ =	shalt  }
0x47: {  	_ =	shalt  }
0x48: {  	_ =	shalt  }
0x49: {  	_ =	shalt  }
0x4a: {  	_ =	shalt  }
0x4b: {  	_ =	shalt  }
0x4c: {  	_ =	shalt  }
0x4d: {  	_ =	shalt  }
0x4e: {  	_ =	shalt  }
0x4f: {  	_ =	shalt  }
0x50: {  	_ =	shalt  }
0x51: {  	_ =	shalt  }
0x52: {  	_ =	shalt  }
0x53: {  	_ =	shalt  }
0x54: {  	_ =	shalt  }
0x55: {  	_ =	shalt  }
0x56: {  	_ =	shalt  }
0x57: {  	_ =	shalt  }
0x58: {  	_ =	shalt  }
0x59: {  	_ =	shalt  }
0x5a: {  	_ =	shalt  }
0x5b: {  	_ =	shalt  }
0x5c: {  	_ =	shalt  }
0x5d: {  	_ =	shalt  }
0x5e: {  	_ =	shalt  }
0x5f: {  	_ =	shalt  }
0x60: {  	_ =	shalt  }
0x61: {  	_ =	shalt  }
0x62: {  	_ =	shalt  }
0x63: {  	_ =	shalt  }
0x64: {  	_ =	shalt  }
0x65: {  	_ =	shalt  }
0x66: {  	_ =	shalt  }
0x67: {  	_ =	shalt  }
0x68: {  	_ =	shalt  }
0x69: {  	_ =	shalt  }
0x6a: {  	_ =	shalt  }
0x6b: {  	_ =	shalt  }
0x6c: {  	_ =	shalt  }
0x6d: {  	_ =	shalt  }
0x6e: {  	_ =	shalt  }
0x6f: {  	_ =	shalt  }
0x70: {  	_ =	shalt  }
0x71: {  	_ =	shalt  }
0x72: {  	_ =	shalt  }
0x73: {  	_ =	shalt  }
0x74: {  	_ =	shalt  }
0x75: {  	_ =	shalt  }
0x76: {  	_ =	shalt  }
0x77: {  	_ =	shalt  }
0x78: {  	_ =	shalt  }
0x79: {  	_ =	shalt  }
0x7a: {  	_ =	shalt  }
0x7b: {  	_ =	shalt  }
0x7c: {  	_ =	shalt  }
0x7d: {  	_ =	shalt  }
0x7e: {  	_ =	shalt  }
0x7f: {  	_ =	shalt  }
0x80: {  	_ =	shalt  }
0x81: {  	_ =	shalt  }
0x82: {  	_ =	shalt  }
0x83: {  	_ =	shalt  }
0x84: {  	_ =	shalt  }
0x85: {  	_ =	shalt  }
0x86: {  	_ =	shalt  }
0x87: {  	_ =	shalt  }
.Lfunc_end0:
.L_simem_size_0:
called_computation.1_lowered:
.L_overlay_start_0:
0x88: {  	s2 =	sld [smem:$0x3FD9]  }
0x89: {  	s3 =	sld [smem:$0x3FFE];
	_ =	sdelay $0x1  }
0x8a: {  	s1 =	srdreg.scid  }
0x8b: {  	s0 =	sand.u32 $0x1, s1  }
0x8c: {  	s16 =	sshll.u32 s0, $0xA;
	s2 =	sadd.s32 s3, s2  }
0x8d: {  	s2 =	sadd.s32 s2, s16  }
0x8e: {  	[smem:$0x3FAE] =	sst s2  }
0x8f: {  	_ = 	snop  }
0x90: {  	(tm) =	ssettm $0x1  }
0x91: {  	s17 =	sld [smem:$0x3FFB];
	_ =	sdelay $0x3  }
0x92: {  	_ =	strace s17  }
0x93: {  	s2 =	sld [smem:$0x3FFC];
	_ =	sdelay $0x3  }
0x94: {  	_ =	strace s2  }
0x95: {  	s2 =	sld [smem:$0x3FFD];
	_ =	sdelay $0x3  }
0x96: {  	_ =	strace s2  }
0x97: {  	_ =	strace $0x8FFFFFFF  }
0x98: {  	s18 =	sld [smem:$0x3FDB];
	_ =	sdelay $0x1  }
0x99: {  	s19 =	simm.s32 $_scs_section_size  }
0x9a: {  	s4 =	simm.s32 $_size__tile_overlayer_lowered;
	s5 =	simm.s32 $_tile_overlayer_lowered  }
0x9b: {  	s22 =	simm.s32 $0x1BFF;
	s21 =	sshll.u32 s5, $0x1;
	s2 =	sadd.s32 s19, s18  }
0x9c: {  	s6 =	simm.s32 $0x0;
	s20 =	sshll.u32 s4, $0x1;
	s4 =	sadd.s32 s21, s2  }
0x9d: {  	[timem:s6], [sflag:s22] =	dma.local [hbm:s4], s20  }
0x9e: {  	_ =	swait.ge [sflag:s22], s20  }
0x9f: {  	s3 =	ssub.s32 $0x0, s20;
	[sflag:s22] =	ssyncset.done $0x0  }
0xa0: {  	[sflag:s22] =	ssyncadd.s32 s3;
	_ =	sdelay $0x1  }
0xa1: {  	s23 =	simm.s32 $0x1B8B  }
0xa2: {  	_ =	swait.ge [sflag:s23], $0x1  }
0xa3: {  	[sflag:s23] =	ssyncset.done $0x0  }
0xa4: {  	s25 =	simm.s32 $0x1B8E;
	s24 =	sld [smem:$0x3FFE];
	[sflag:s23] =	ssyncadd.s32 $0xFFFFFFFF  }
0xa5: {  	s26 =	simm.s32 $execute0_lowered;
	[smem:$0x3FD2] =	sst s25  }
0xa6: {  	s4 =	sshll.u32 s26, $0x1;
	_ =	strace $0x80000049;
	[dreg:$0x1] =	wrdreg $0xFFFFFFFF  }
0xa7: {  	s28 =	simm.s32 $_size_execute0_lowered;
	s2 =	sadd.s32 s2, s4;
	[dreg:$0x0] =	wrdreg $0x0  }
0xa8: {  	s4 =	sshll.u32 s28, $0x1;
	[dreg:$0x2] =	wrdreg s2  }
0xa9: {  	[dreg:$0x3] =	wrdreg s4  }
0xaa: {  	[dreg:$0x4] =	wrdreg $0xC0  }
0xab: {  	_ =	task [dreg:s6], $0x5FFFF  }
0xac: {  	[dreg:$0x1] =	wrdreg $0xFFFFFFFF  }
0xad: {  	[dreg:$0x0] =	wrdreg $0x60  }
0xae: {  	[dreg:$0x2] =	wrdreg s24  }
0xaf: {  	[dreg:$0x3] =	wrdreg $0x0  }
0xb0: {  	[dreg:$0x4] =	wrdreg $0x9  }
0xb1: {  	_ =	task.clear_ibuf [dreg:s6], $0x5FFFF;
	_ =	strace $0x90000049  }
0xb2: {  	s29 =	simm.s32 $0x9;
	_ =	strace $0x8000004B  }
0xb3: {  	_ =	swait.ge [sflag:s29], $0x1  }
0xb4: {  	[sflag:s29] =	ssyncadd.s32 $0xFFFFFFFF  }
0xb5: {  	_ =	strace $0x9000004B  }
0xb6: {  	_ =	sfence  }
0xb7: {  	s30 =	sld [smem:$0x0];
	_ =	sdelay $0x2  }
0xb8: {  	s31 =	sshll.u32 s1, $0xD;
	s1 =	sshrl.u32 s1, $0x2  }
0xb9: {  	s3 =	sand.u32 $0x4000, s31;
	s1 =	sadd.s32 s1, s30  }
0xba: {  	s0 =	sor.u32 s3, s0;
	s1 =	sshll.u32 s1, $0x11  }
0xbb: {  	s0 =	sor.u32 s1, s0  }
0xbc: {  	s0 =	sadd.s32 $0x8F2B, s0  }
0xbd: {  	[sflag:s0] =	ssyncadd.remote.s32 $0x1  }
0xbe: {  	_ =	sfence.sel $0xFFFF  }
0xbf: {  	[dreg:$0x0] =	wrdreg $0xFFFFFFFF;
	(pc) =	sbr.abs _section_cstart, $3  }
0xc0: {  	[dreg:$0x1] =	wrdreg $0xFFFFFFFF  }
0xc1: {  	_ =	task.clear_ibuf [dreg:s6], $0x2FFFF;
	_ =	strace $0x9FFFFFFF  }
0xc2: {  	(tm) =	ssettm $0x7FFFFFFF  }
0xc3: {  	_ =	shalt  }
tec
execute0_lowered:
.L_overlay_start_1:
0x0: {  	(tag) =	ssettag $0x1  }
0x1: {  	s5 =	rddreg [dreg:$0x0]  }
0x2: {  	s2 =	rddreg [dreg:$0x1]  }
0x3: {  	s0 =	srdreg.scid;
	s1 =	rddreg [dreg:$0x2]  }
0x4: {  	s3 =	simm.s32 $0x0;
	s14 =	simm.s32 $0x16380;
	s6 =	sand.u32 $0x1, s0  }
0x5: {  	s15 =	simm.s32 $0x80;
	s0 =	stileid.u32;
	s4 =	smul.u32 $0x27800, s6  }
0x6: {  	s16 =	simm.s32 $0x18B00;
	s17 =	simm.s32 $0x1;
	s7 =	smul.u32 $0x2780, s0  }
0x7: {  	s18 =	simm.s32 $0x0;
	[smem:$0x7FF] =	sst s3;
	s8 =	smul.u32 $0x13C00, s0  }
0x8: {  	s9 =	smul.u32 $0x13C000, s6;
	_ =	strace $0x8000004A;
	s6 =	ssub.s32 $0x2, s6  }
0x9: {  	s28 =	smul.u32 $0x4F000, s0;
	s31 =	sshll.u32 s0, $0x6;
	s29 =	sshrl.u32 s6, $0x1  }
0xa: {  	s7 =	sadd.s32 s7, s4;
	s4 =	sadd.s32 $0x18000, s5;
	s26 =	sshrl.u32 s8, $0x3  }
0xb: {  	s8 =	sadd.s32 s8, s9;
	s12 =	ssub.s32 s6, s29;
	s30 =	sshrl.u32 s28, $0x2  }
0xc: {  	s6 =	sor.u32 $0x1C02, s31;
	s7 =	sshrl.u32 s7, $0x3;
	s8 =	sshrl.u32 s8, $0x3  }
0xd: {  	s13 =	sadd.s32 s30, s2;
	s10 =	sadd.s32 s7, s5;
	s7 =	sadd.s32 s26, s5  }
0xe: {  	s11 =	sadd.s32 s8, s5;
	s5 =	sadd.s32 $0x3F200, s7;
	s7 =	sadd.s32 $0xE200, s10  }
0xf: {  	s8 =	sadd.s32 $0x4400, s10;
	s9 =	sadd.s32 $0x66A00, s11;
	s10 =	smax.u32 s12, $0x1  }
0x10: {  	s11 =	sshrl.u32 s13, $0x3;
	s12 =	simm.s32 $0x2;
	s13 =	simm.s32 $0x13C00  }
.LBB2_1:
0x11: {  	[spmem:s11], [sflag:s6] =	dma.local [hbm:s5], $0x2780  }
0x12: {  	_ =	swait.ge [sflag:s12], $0x2780  }
0x13: {  	[sflag:s12] =	ssyncset.done $0x0  }
0x14: {  	[sflag:s12] =	ssyncadd.s32 $0xFFFFD880  }
0x15: {  	[bflag:$0x0] =	sbarrier.arrive $0xFFFF  }
0x16: {  	[tilespmem:s13], [sflag:$0x2] =	stream.linear.gather [hbm4b:s7+s3], $0x2780, $0x38;
	[tilespmem:$0x1CB00] =	vst v63  }
0x17: {  	_ =	swait.ge [sflag:s12], $0x2780  }
0x18: {  	[sflag:s12] =	ssyncset.done $0x0  }
0x19: {  	[sflag:s12] =	ssyncadd.s32 $0xFFFFD880  }
0x1a: {  	[tilespmem:s14], [sflag:$0x2] =	stream.linear.gather [hbm4b:s8+s3], $0x2780, $0x38;
	[tilespmem:$0x1CB00] =	vst v63  }
0x1b: {  	_ =	swait.ge [sflag:s12], $0x2780  }
0x1c: {  	[sflag:s12] =	ssyncset.done $0x0  }
0x1d: {  	s19 =	simm.s32 $0x13C00;
	[sflag:s12] =	ssyncadd.s32 $0xFFFFD880  }
0x1e: {  	[tilespmem:s16], [sflag:$0x1] =	stream.indirect.gather [hbm4b:s4+s15], $0x80, s19, s15, $0xb8;
	[tilespmem:$0x1CB00] =	vst v63  }
0x1f: {  	_ =	swait.ge [sflag:s17], $0x4000  }
0x20: {  	[sflag:s17] =	ssyncset.done $0x0  }
0x21: {  	s31 =	simm.s32 $0x16380;
	[sflag:s17] =	ssyncadd.s32 $0xFFFFC000  }
0x22: {  	[spmem:s2] =	stream.indirect.scatter.add.f32 [tilespmem:s16], [sflag:$0x2], $0x80, s31, s15, $0xb8;
	[tilespmem:$0x1CB00] =	vst v63  }
0x23: {  	_ =	swait.ge [sflag:s12], $0x4000  }
0x24: {  	s20 =	simm.s32 $0x400;
	s19 =	simm.s32 $0x80;
	[sflag:s12] =	ssyncset.done $0x0  }
.LBB2_2:
0x25: {  	s21 =	sadd.s32 $0x13C00, s19  }
0x26: {  	[sflag:s12] =	ssyncadd.s32 $0xFFFFC000;
	s22 =	smov.u32 s20;
	s23 =	sadd.s32 $0x200, s20  }
0x27: {  	[tilespmem:s16], [sflag:$0x1] =	stream.indirect.gather [hbm4b:s4+s15], $0x80, s21, s15, $0xb8;
	[tilespmem:$0x1CB00] =	vst v63  }
0x28: {  	p0 =	sne.s32 s20, $0x9C00;
	_ =	swait.ge [sflag:s17], $0x4000  }
.Ltmp0:
0x29: {  	[sflag:s17] =	ssyncset.done $0x0;
	(pc) =	sbr.rel @p0 .LBB2_2-.Ltmp0, $4  }
0x2a: {  	s19 =	sadd.s32 $0x16380, s19;
	[sflag:s17] =	ssyncadd.s32 $0xFFFFC000  }
0x2b: {  	[spmem:s2] =	stream.indirect.scatter.add.f32 [tilespmem:s16], [sflag:$0x2], $0x80, s19, s15, $0xb8;
	[tilespmem:$0x1CB00] =	vst v63  }
0x2c: {  	_ =	swait.ge [sflag:s12], $0x4000  }
0x2d: {  	s20 =	smov.u32 s23;
	s19 =	sshra.s32 s22, $0x2;
	[sflag:s12] =	ssyncset.done $0x0  }
0x2e: {  	s20 =	sadd.s32 $0x13C00, s19;
	[sflag:s12] =	ssyncadd.s32 $0xFFFFC000  }
0x2f: {  	[tilespmem:s16], [sflag:$0x1] =	stream.indirect.gather [hbm4b:s4+s15], $0x80, s20, s15, $0xb8;
	[tilespmem:$0x1CB00] =	vst v63  }
0x30: {  	_ =	swait.ge [sflag:s17], $0x4000  }
0x31: {  	[sflag:s17] =	ssyncset.done $0x0  }
0x32: {  	s31 =	sadd.s32 $0x16380, s19;
	[sflag:s17] =	ssyncadd.s32 $0xFFFFC000  }
0x33: {  	[spmem:s2] =	stream.indirect.scatter.add.f32 [tilespmem:s16], [sflag:$0x2], $0x80, s31, s15, $0xb8;
	[tilespmem:$0x1CB00] =	vst v63  }
0x34: {  	_ =	swait.ge [sflag:s12], $0x4000  }
0x35: {  	s18 =	sadd.s32 $0x1, s18;
	[sflag:s12] =	ssyncset.done $0x0  }
0x36: {  	p0 =	sne.s32 s18, s10;
	[sflag:s12] =	ssyncadd.s32 $0xFFFFC000  }
.Ltmp1:
0x37: {  	[bflag:$0x0] =	sbarrier.arrive $0xFFFF;
	(pc) =	sbr.rel @p0 .LBB2_1-.Ltmp1, $4  }
0x38: {  	[hbm:s9], [sflag:s6] =	dma.local [spmem:s11], $0x2780  }
0x39: {  	_ =	swait.ge [sflag:s12], $0x2780  }
0x3a: {  	[sflag:s12] =	ssyncset.done $0x0  }
0x3b: {  	[sflag:s12] =	ssyncadd.s32 $0xFFFFD880  }
0x3c: {  	_ =	sfence.sel $0x180000  }
0x3d: {  	[bflag:$0x0] =	sbarrier.arrive $0xFFFF  }
0x3e: {  	p0 =	sne.s32 s0, $0x0;
	_ =	strace $0x9000004A  }
0x3f: {  	s0 =	sadd.s32 @!p0 $0x100000, s1;
	[bflag:$0x2] =	sbarrier.arrive $0xFFFF  }
0x40: {  	[sflag:s0] =	ssyncadd.tile.s32 @!p0 $0x1;
	_ =	shalt  }
.Lfunc_end2:
_tile_overlayer_lowered:
.L_overlay_start_2:
0x41: {  	(tag) =	ssettag $0x2  }
0x42: {  	s0 =	rddreg [dreg:$0x0];
	s2 =	stileid.u32  }
0x43: {  	s1 =	rddreg [dreg:$0x1];
	p0 =	sne.s32 s2, $0x0  }
0x44: {  	s3 =	rddreg [dreg:$0x2];
	[bflag:$0x3] =	sbarrier.arrive $0xFFFF;
	s2 =	simm.s32 @!p0 $0x1C02  }
0x45: {  	[timem:s3], [sflag:s2] =	dma.local @!p0 [hbm:s0], s1  }
0x46: {  	s0 =	simm.s32 @!p0 $0x2  }
0x47: {  	_ =	swait.ge @!p0 [sflag:s0], s1  }
0x48: {  	s1 =	ssub.s32 @!p0 $0x0, s1;
	[sflag:s0] =	ssyncset.done @!p0 $0x0  }
0x49: {  	[sflag:s0] =	ssyncadd.s32 @!p0 s1  }
0x4a: {  	[bflag:$0x3] =	sbarrier.arrive $0xFFFF  }
0x4b: {  	_ =	shalt  }

// kernel: kernel.16.cloned.1.call-start
scs
__scs_entry_jumppad:
0x0: {  	(pc) =	sbr.rel $0x88, $3  }
0x1: {  	(tag) =	ssettag $0x0;
	lr =	simm.s32 $0x1  }
0x2: {  	[smem:$0x3F87] =	sst lr;
	_ =	strace $0xD0000000  }
0x3: {  	_ = 	snop  }
0x4: {  	_ = 	snop  }
0x5: {  	_ = 	snop  }
0x6: {  	_ = 	snop  }
0x7: {  	_ = 	snop  }
__scs_overlays_trampoline_lowered:
0x8: {  	[smem:$0x3F96] =	sst s0  }
0x9: {  	[smem:$0x3F97] =	sst s1  }
0xa: {  	[smem:$0x3F98] =	sst s2  }
0xb: {  	[smem:$0x3F99] =	sst s3  }
0xc: {  	[smem:$0x3F9A] =	sst s4  }
0xd: {  	[smem:$0x3F9B] =	sst s5  }
0xe: {  	[smem:$0x3F9C] =	sst s6  }
0xf: {  	[smem:$0x3F9D] =	sst s7  }
0x10: {  	[smem:$0x3F9E] =	sst s8  }
0x11: {  	[smem:$0x3F9F] =	sst s9;
	s0 =	simm.s32 @!p0 $0x0  }
0x12: {  	s1 =	sld [smem:$0x3F85];
	s0 =	simm.s32 @p0 $0x1  }
0x13: {  	[smem:$0x3FA0] =	sst s0;
	s0 =	simm.s32 @!p1 $0x0  }
0x14: {  	s2 =	sld [smem:$0x3F84];
	s0 =	simm.s32 @p1 $0x1  }
0x15: {  	[smem:$0x3FA1] =	sst s0;
	s0 =	simm.s32 @!p2 $0x0  }
0x16: {  	s3 =	sld [smem:$0x3FDB];
	s0 =	simm.s32 @p2 $0x1  }
0x17: {  	s4 =	simm.s32 $0x1BF5;
	[smem:$0x3FA3] =	sst s0  }
0x18: {  	s0 =	sld [smem:$0x3F86];
	_ =	swait.ge [sflag:s4], $0x0  }
0x19: {  	s7 =	sld [smem:$0x3F87]  }
0x1a: {  	s8 =	sadd.s32 $0xFFFFE003, lr  }
0x1b: {  	s9 =	sadd.s32 $0xFFFFFEF7, lr;
	s5 =	simm.s32 $0xFFFFFFFF;
	p2 =	slt.u32 s8, $0xFFFFF086  }
0x1c: {  	p1 =	slt.u32 s9, $0xF7A;
	s5 =	simm.s32 @!p2 $0x0  }
0x1d: {  	s5 =	simm.s32 @p1 $0x1;
	p0 =	seq.s32 s7, s2  }
0x1e: {  	s7 =	smul.u32 @!p0 $0xF7A, s2;
	p2 =	seq.s32 @!p0 s5, $0x0  }
0x1f: {  	s9 =	smul.u32 $0xF7A, s1;
	s8 =	simm.s32 @!p0 $0x1BF5;
	p2 =	por !p2, p0  }
0x20: {  	[sflag:s8] =	ssyncset.s32 @!p0 $0xFFFFF086;
	s6 =	sadd.s32 @!p0 s3, s7;
	s7 =	simm.s32 @!p0 $0x108  }
0x21: {  	s3 =	sadd.s32 s3, s9;
	s6 =	sadd.s32 @!p0 $0x88, s6;
	s7 =	simm.s32 @p2 $0x1082  }
0x22: {  	[simem:s7], [sflag:s8] =	dma.local @!p0 [hbm:s6], $0xF7A  }
0x23: {  	s9 =	sor.u32 $0xD0000000, s2;
	s6 =	simm.s32 $0x108;
	_ =	swait.ge @!p0 [sflag:s8], $0x0  }
0x24: {  	s3 =	sadd.s32 $0x88, s3;
	s6 =	simm.s32 @!p1 $0x1082;
	[sflag:s4] =	ssyncset.s32 $0xFFFFF086  }
0x25: {  	[simem:s6], [sflag:s4] =	dma.local [hbm:s3], $0xF7A  }
0x26: {  	[smem:$0x3F87] =	sst s1;
	(tag) =	ssettag s2;
	_ =	strace s9  }
0x27: {  	s1 =	sld [smem:$0x3F97]  }
0x28: {  	s2 =	sld [smem:$0x3F98]  }
0x29: {  	s4 =	sld [smem:$0x3F9A]  }
0x2a: {  	p0 =	seq.s32 s5, $0x0;
	s5 =	sld [smem:$0x3F9B]  }
0x2b: {  	s6 =	sld [smem:$0x3F9C]  }
0x2c: {  	s7 =	sld [smem:$0x3F9D]  }
0x2d: {  	s3 =	simm.s32 $0x108;
	s8 =	sld [smem:$0x3F9E]  }
0x2e: {  	s3 =	simm.s32 @!p0 $0x1082;
	s9 =	sld [smem:$0x3F9F]  }
0x2f: {  	lr =	sadd.s32 s0, s3;
	s0 =	sld [smem:$0x3F96]  }
0x30: {  	s3 =	sld [smem:$0x3F99]  }
0x31: {  	[smem:$0x3FA2] =	sst s10  }
0x32: {  	s10 =	sld [smem:$0x3FA0];
	_ =	sdelay $0x3  }
0x33: {  	p0 =	seq.s32 s10, $0x1;
	s10 =	sld [smem:$0x3FA2];
	_ =	sdelay $0x3  }
0x34: {  	[smem:$0x3FA2] =	sst s10  }
0x35: {  	s10 =	sld [smem:$0x3FA1];
	_ =	sdelay $0x3  }
0x36: {  	p1 =	seq.s32 s10, $0x1;
	s10 =	sld [smem:$0x3FA2];
	_ =	sdelay $0x3  }
0x37: {  	[smem:$0x3FA2] =	sst s10  }
0x38: {  	s10 =	sld [smem:$0x3FA3]  }
0x39: {  	_ = 	snop;
	(pc) =	sbr.ind lr, $3  }
0x3a: {  	_ = 	snop  }
0x3b: {  	_ = 	snop  }
0x3c: {  	p2 =	seq.s32 s10, $0x1;
	s10 =	sld [smem:$0x3FA2]  }
0x3d: {  	_ =	shalt  }
0x3e: {  	_ =	shalt  }
0x3f: {  	_ =	shalt  }
0x40: {  	_ =	shalt  }
0x41: {  	_ =	shalt  }
0x42: {  	_ =	shalt  }
0x43: {  	_ =	shalt  }
0x44: {  	_ =	shalt  }
0x45: {  	_ =	shalt  }
0x46: {  	_ =	shalt  }
0x47: {  	_ =	shalt  }
0x48: {  	_ =	shalt  }
0x49: {  	_ =	shalt  }
0x4a: {  	_ =	shalt  }
0x4b: {  	_ =	shalt  }
0x4c: {  	_ =	shalt  }
0x4d: {  	_ =	shalt  }
0x4e: {  	_ =	shalt  }
0x4f: {  	_ =	shalt  }
0x50: {  	_ =	shalt  }
0x51: {  	_ =	shalt  }
0x52: {  	_ =	shalt  }
0x53: {  	_ =	shalt  }
0x54: {  	_ =	shalt  }
0x55: {  	_ =	shalt  }
0x56: {  	_ =	shalt  }
0x57: {  	_ =	shalt  }
0x58: {  	_ =	shalt  }
0x59: {  	_ =	shalt  }
0x5a: {  	_ =	shalt  }
0x5b: {  	_ =	shalt  }
0x5c: {  	_ =	shalt  }
0x5d: {  	_ =	shalt  }
0x5e: {  	_ =	shalt  }
0x5f: {  	_ =	shalt  }
0x60: {  	_ =	shalt  }
0x61: {  	_ =	shalt  }
0x62: {  	_ =	shalt  }
0x63: {  	_ =	shalt  }
0x64: {  	_ =	shalt  }
0x65: {  	_ =	shalt  }
0x66: {  	_ =	shalt  }
0x67: {  	_ =	shalt  }
0x68: {  	_ =	shalt  }
0x69: {  	_ =	shalt  }
0x6a: {  	_ =	shalt  }
0x6b: {  	_ =	shalt  }
0x6c: {  	_ =	shalt  }
0x6d: {  	_ =	shalt  }
0x6e: {  	_ =	shalt  }
0x6f: {  	_ =	shalt  }
0x70: {  	_ =	shalt  }
0x71: {  	_ =	shalt  }
0x72: {  	_ =	shalt  }
0x73: {  	_ =	shalt  }
0x74: {  	_ =	shalt  }
0x75: {  	_ =	shalt  }
0x76: {  	_ =	shalt  }
0x77: {  	_ =	shalt  }
0x78: {  	_ =	shalt  }
0x79: {  	_ =	shalt  }
0x7a: {  	_ =	shalt  }
0x7b: {  	_ =	shalt  }
0x7c: {  	_ =	shalt  }
0x7d: {  	_ =	shalt  }
0x7e: {  	_ =	shalt  }
0x7f: {  	_ =	shalt  }
0x80: {  	_ =	shalt  }
0x81: {  	_ =	shalt  }
0x82: {  	_ =	shalt  }
0x83: {  	_ =	shalt  }
0x84: {  	_ =	shalt  }
0x85: {  	_ =	shalt  }
0x86: {  	_ =	shalt  }
0x87: {  	_ =	shalt  }
.Lfunc_end0:
.L_simem_size_0:
called_computation.2_lowered:
.L_overlay_start_0:
0x88: {  	s2 =	sld [smem:$0x3FD9]  }
0x89: {  	s3 =	sld [smem:$0x3FFE];
	_ =	sdelay $0x1  }
0x8a: {  	s1 =	srdreg.scid  }
0x8b: {  	s0 =	sand.u32 $0x1, s1  }
0x8c: {  	s16 =	sshll.u32 s0, $0xA;
	s2 =	sadd.s32 s3, s2  }
0x8d: {  	s2 =	sadd.s32 s2, s16  }
0x8e: {  	[smem:$0x3FAE] =	sst s2  }
0x8f: {  	_ = 	snop  }
0x90: {  	(tm) =	ssettm $0x1  }
0x91: {  	s17 =	sld [smem:$0x3FFB];
	_ =	sdelay $0x3  }
0x92: {  	_ =	strace s17  }
0x93: {  	s2 =	sld [smem:$0x3FFC];
	_ =	sdelay $0x3  }
0x94: {  	_ =	strace s2  }
0x95: {  	s2 =	sld [smem:$0x3FFD];
	_ =	sdelay $0x3  }
0x96: {  	_ =	strace s2  }
0x97: {  	_ =	strace $0x8FFFFFFF  }
0x98: {  	s18 =	sld [smem:$0x3FDB];
	_ =	sdelay $0x1  }
0x99: {  	s19 =	simm.s32 $_scs_section_size  }
0x9a: {  	s4 =	simm.s32 $_size__tile_overlayer_lowered;
	s5 =	simm.s32 $_tile_overlayer_lowered  }
0x9b: {  	s22 =	simm.s32 $0x1BFF;
	s21 =	sshll.u32 s5, $0x1;
	s2 =	sadd.s32 s19, s18  }
0x9c: {  	s6 =	simm.s32 $0x0;
	s20 =	sshll.u32 s4, $0x1;
	s4 =	sadd.s32 s21, s2  }
0x9d: {  	[timem:s6], [sflag:s22] =	dma.local [hbm:s4], s20  }
0x9e: {  	_ =	swait.ge [sflag:s22], s20  }
0x9f: {  	s3 =	ssub.s32 $0x0, s20;
	[sflag:s22] =	ssyncset.done $0x0  }
0xa0: {  	[sflag:s22] =	ssyncadd.s32 s3;
	_ =	sdelay $0x1  }
0xa1: {  	s23 =	simm.s32 $0x1B8B  }
0xa2: {  	_ =	swait.ge [sflag:s23], $0x1  }
0xa3: {  	[sflag:s23] =	ssyncset.done $0x0  }
0xa4: {  	s25 =	simm.s32 $0x1B8E;
	s24 =	sld [smem:$0x3FFE];
	[sflag:s23] =	ssyncadd.s32 $0xFFFFFFFF  }
0xa5: {  	s26 =	simm.s32 $execute0_lowered;
	[smem:$0x3FD2] =	sst s25  }
0xa6: {  	s4 =	sshll.u32 s26, $0x1;
	_ =	strace $0x8000004C;
	[dreg:$0x1] =	wrdreg $0xFFFFFFFF  }
0xa7: {  	s28 =	simm.s32 $_size_execute0_lowered;
	s2 =	sadd.s32 s2, s4;
	[dreg:$0x0] =	wrdreg $0x0  }
0xa8: {  	s4 =	sshll.u32 s28, $0x1;
	[dreg:$0x2] =	wrdreg s2  }
0xa9: {  	[dreg:$0x3] =	wrdreg s4  }
0xaa: {  	[dreg:$0x4] =	wrdreg $0xC0  }
0xab: {  	_ =	task [dreg:s6], $0x5FFFF  }
0xac: {  	[dreg:$0x1] =	wrdreg $0xFFFFFFFF  }
0xad: {  	[dreg:$0x0] =	wrdreg $0x60  }
0xae: {  	[dreg:$0x2] =	wrdreg s24  }
0xaf: {  	[dreg:$0x3] =	wrdreg $0x0  }
0xb0: {  	[dreg:$0x4] =	wrdreg $0x9  }
0xb1: {  	_ =	task.clear_ibuf [dreg:s6], $0x5FFFF;
	_ =	strace $0x9000004C  }
0xb2: {  	s29 =	simm.s32 $0x9;
	_ =	strace $0x8000004E  }
0xb3: {  	_ =	swait.ge [sflag:s29], $0x1  }
0xb4: {  	[sflag:s29] =	ssyncadd.s32 $0xFFFFFFFF  }
0xb5: {  	_ =	strace $0x9000004E  }
0xb6: {  	_ =	sfence  }
0xb7: {  	s30 =	sld [smem:$0x0];
	_ =	sdelay $0x2  }
0xb8: {  	s31 =	sshll.u32 s1, $0xD;
	s1 =	sshrl.u32 s1, $0x2  }
0xb9: {  	s3 =	sand.u32 $0x4000, s31;
	s1 =	sadd.s32 s1, s30  }
0xba: {  	s0 =	sor.u32 s3, s0;
	s1 =	sshll.u32 s1, $0x11  }
0xbb: {  	s0 =	sor.u32 s1, s0  }
0xbc: {  	s0 =	sadd.s32 $0x8F2B, s0  }
0xbd: {  	[sflag:s0] =	ssyncadd.remote.s32 $0x1  }
0xbe: {  	_ =	sfence.sel $0xFFFF  }
0xbf: {  	[dreg:$0x0] =	wrdreg $0xFFFFFFFF;
	(pc) =	sbr.abs _section_cstart, $3  }
0xc0: {  	[dreg:$0x1] =	wrdreg $0xFFFFFFFF  }
0xc1: {  	_ =	task.clear_ibuf [dreg:s6], $0x2FFFF;
	_ =	strace $0x9FFFFFFF  }
0xc2: {  	(tm) =	ssettm $0x7FFFFFFF  }
0xc3: {  	_ =	shalt  }
tec
execute0_lowered:
.L_overlay_start_1:
0x0: {  	(tag) =	ssettag $0x1  }
0x1: {  	s5 =	rddreg [dreg:$0x0]  }
0x2: {  	s2 =	rddreg [dreg:$0x1]  }
0x3: {  	s0 =	srdreg.scid;
	s1 =	rddreg [dreg:$0x2]  }
0x4: {  	s3 =	simm.s32 $0x0;
	s14 =	simm.s32 $0x16380;
	s6 =	sand.u32 $0x1, s0  }
0x5: {  	s15 =	simm.s32 $0x80;
	s0 =	stileid.u32;
	s4 =	smul.u32 $0x27800, s6  }
0x6: {  	s16 =	simm.s32 $0x18B00;
	s17 =	simm.s32 $0x1;
	s7 =	smul.u32 $0x2780, s0  }
0x7: {  	s18 =	simm.s32 $0x0;
	[smem:$0x7FF] =	sst s3;
	s8 =	smul.u32 $0x13C00, s0  }
0x8: {  	s9 =	smul.u32 $0x13C000, s6;
	_ =	strace $0x8000004D;
	s6 =	ssub.s32 $0x2, s6  }
0x9: {  	s28 =	smul.u32 $0x4F000, s0;
	s31 =	sshll.u32 s0, $0x6;
	s29 =	sshrl.u32 s6, $0x1  }
0xa: {  	s7 =	sadd.s32 s7, s4;
	s4 =	sadd.s32 $0x18000, s5;
	s26 =	sshrl.u32 s8, $0x3  }
0xb: {  	s8 =	sadd.s32 s8, s9;
	s12 =	ssub.s32 s6, s29;
	s30 =	sshrl.u32 s28, $0x2  }
0xc: {  	s6 =	sor.u32 $0x1C02, s31;
	s7 =	sshrl.u32 s7, $0x3;
	s8 =	sshrl.u32 s8, $0x3  }
0xd: {  	s13 =	sadd.s32 s30, s2;
	s10 =	sadd.s32 s7, s5;
	s7 =	sadd.s32 s26, s5  }
0xe: {  	s11 =	sadd.s32 s8, s5;
	s5 =	sadd.s32 $0x3F200, s7;
	s7 =	sadd.s32 $0xE200, s10  }
0xf: {  	s8 =	sadd.s32 $0x4400, s10;
	s9 =	sadd.s32 $0x66A00, s11;
	s10 =	smax.u32 s12, $0x1  }
0x10: {  	s11 =	sshrl.u32 s13, $0x3;
	s12 =	simm.s32 $0x2;
	s13 =	simm.s32 $0x13C00  }
.LBB2_1:
0x11: {  	[spmem:s11], [sflag:s6] =	dma.local [hbm:s5], $0x2780  }
0x12: {  	_ =	swait.ge [sflag:s12], $0x2780  }
0x13: {  	[sflag:s12] =	ssyncset.done $0x0  }
0x14: {  	[sflag:s12] =	ssyncadd.s32 $0xFFFFD880  }
0x15: {  	[bflag:$0x0] =	sbarrier.arrive $0xFFFF  }
0x16: {  	[tilespmem:s13], [sflag:$0x2] =	stream.linear.gather [hbm4b:s7+s3], $0x2780, $0x38;
	[tilespmem:$0x1CB00] =	vst v63  }
0x17: {  	_ =	swait.ge [sflag:s12], $0x2780  }
0x18: {  	[sflag:s12] =	ssyncset.done $0x0  }
0x19: {  	[sflag:s12] =	ssyncadd.s32 $0xFFFFD880  }
0x1a: {  	[tilespmem:s14], [sflag:$0x2] =	stream.linear.gather [hbm4b:s8+s3], $0x2780, $0x38;
	[tilespmem:$0x1CB00] =	vst v63  }
0x1b: {  	_ =	swait.ge [sflag:s12], $0x2780  }
0x1c: {  	[sflag:s12] =	ssyncset.done $0x0  }
0x1d: {  	s19 =	simm.s32 $0x13C00;
	[sflag:s12] =	ssyncadd.s32 $0xFFFFD880  }
0x1e: {  	[tilespmem:s16], [sflag:$0x1] =	stream.indirect.gather [hbm4b:s4+s15], $0x80, s19, s15, $0xb8;
	[tilespmem:$0x1CB00] =	vst v63  }
0x1f: {  	_ =	swait.ge [sflag:s17], $0x4000  }
0x20: {  	[sflag:s17] =	ssyncset.done $0x0  }
0x21: {  	s31 =	simm.s32 $0x16380;
	[sflag:s17] =	ssyncadd.s32 $0xFFFFC000  }
0x22: {  	[spmem:s2] =	stream.indirect.scatter.add.f32 [tilespmem:s16], [sflag:$0x2], $0x80, s31, s15, $0xb8;
	[tilespmem:$0x1CB00] =	vst v63  }
0x23: {  	_ =	swait.ge [sflag:s12], $0x4000  }
0x24: {  	s20 =	simm.s32 $0x400;
	s19 =	simm.s32 $0x80;
	[sflag:s12] =	ssyncset.done $0x0  }
.LBB2_2:
0x25: {  	s21 =	sadd.s32 $0x13C00, s19  }
0x26: {  	[sflag:s12] =	ssyncadd.s32 $0xFFFFC000;
	s22 =	smov.u32 s20;
	s23 =	sadd.s32 $0x200, s20  }
0x27: {  	[tilespmem:s16], [sflag:$0x1] =	stream.indirect.gather [hbm4b:s4+s15], $0x80, s21, s15, $0xb8;
	[tilespmem:$0x1CB00] =	vst v63  }
0x28: {  	p0 =	sne.s32 s20, $0x9C00;
	_ =	swait.ge [sflag:s17], $0x4000  }
.Ltmp0:
0x29: {  	[sflag:s17] =	ssyncset.done $0x0;
	(pc) =	sbr.rel @p0 .LBB2_2-.Ltmp0, $4  }
0x2a: {  	s19 =	sadd.s32 $0x16380, s19;
	[sflag:s17] =	ssyncadd.s32 $0xFFFFC000  }
0x2b: {  	[spmem:s2] =	stream.indirect.scatter.add.f32 [tilespmem:s16], [sflag:$0x2], $0x80, s19, s15, $0xb8;
	[tilespmem:$0x1CB00] =	vst v63  }
0x2c: {  	_ =	swait.ge [sflag:s12], $0x4000  }
0x2d: {  	s20 =	smov.u32 s23;
	s19 =	sshra.s32 s22, $0x2;
	[sflag:s12] =	ssyncset.done $0x0  }
0x2e: {  	s20 =	sadd.s32 $0x13C00, s19;
	[sflag:s12] =	ssyncadd.s32 $0xFFFFC000  }
0x2f: {  	[tilespmem:s16], [sflag:$0x1] =	stream.indirect.gather [hbm4b:s4+s15], $0x80, s20, s15, $0xb8;
	[tilespmem:$0x1CB00] =	vst v63  }
0x30: {  	_ =	swait.ge [sflag:s17], $0x4000  }
0x31: {  	[sflag:s17] =	ssyncset.done $0x0  }
0x32: {  	s31 =	sadd.s32 $0x16380, s19;
	[sflag:s17] =	ssyncadd.s32 $0xFFFFC000  }
0x33: {  	[spmem:s2] =	stream.indirect.scatter.add.f32 [tilespmem:s16], [sflag:$0x2], $0x80, s31, s15, $0xb8;
	[tilespmem:$0x1CB00] =	vst v63  }
0x34: {  	_ =	swait.ge [sflag:s12], $0x4000  }
0x35: {  	s18 =	sadd.s32 $0x1, s18;
	[sflag:s12] =	ssyncset.done $0x0  }
0x36: {  	p0 =	sne.s32 s18, s10;
	[sflag:s12] =	ssyncadd.s32 $0xFFFFC000  }
.Ltmp1:
0x37: {  	[bflag:$0x0] =	sbarrier.arrive $0xFFFF;
	(pc) =	sbr.rel @p0 .LBB2_1-.Ltmp1, $4  }
0x38: {  	[hbm:s9], [sflag:s6] =	dma.local [spmem:s11], $0x2780  }
0x39: {  	_ =	swait.ge [sflag:s12], $0x2780  }
0x3a: {  	[sflag:s12] =	ssyncset.done $0x0  }
0x3b: {  	[sflag:s12] =	ssyncadd.s32 $0xFFFFD880  }
0x3c: {  	_ =	sfence.sel $0x180000  }
0x3d: {  	[bflag:$0x0] =	sbarrier.arrive $0xFFFF  }
0x3e: {  	p0 =	sne.s32 s0, $0x0;
	_ =	strace $0x9000004D  }
0x3f: {  	s0 =	sadd.s32 @!p0 $0x100000, s1;
	[bflag:$0x2] =	sbarrier.arrive $0xFFFF  }
0x40: {  	[sflag:s0] =	ssyncadd.tile.s32 @!p0 $0x1;
	_ =	shalt  }
.Lfunc_end2:
_tile_overlayer_lowered:
.L_overlay_start_2:
0x41: {  	(tag) =	ssettag $0x2  }
0x42: {  	s0 =	rddreg [dreg:$0x0];
	s2 =	stileid.u32  }
0x43: {  	s1 =	rddreg [dreg:$0x1];
	p0 =	sne.s32 s2, $0x0  }
0x44: {  	s3 =	rddreg [dreg:$0x2];
	[bflag:$0x3] =	sbarrier.arrive $0xFFFF;
	s2 =	simm.s32 @!p0 $0x1C02  }
0x45: {  	[timem:s3], [sflag:s2] =	dma.local @!p0 [hbm:s0], s1  }
0x46: {  	s0 =	simm.s32 @!p0 $0x2  }
0x47: {  	_ =	swait.ge @!p0 [sflag:s0], s1  }
0x48: {  	s1 =	ssub.s32 @!p0 $0x0, s1;
	[sflag:s0] =	ssyncset.done @!p0 $0x0  }
0x49: {  	[sflag:s0] =	ssyncadd.s32 @!p0 s1  }
0x4a: {  	[bflag:$0x3] =	sbarrier.arrive $0xFFFF  }
0x4b: {  	_ =	shalt  }

</sc_bundles>
